<compile_context>
chip_gen: v7x
topology: tpu7x:2x2x1
jax: 0.10.2.dev20260603
libtpu: 0.0.44.dev20260713+nightly
codegen_flags: <defaults>
</compile_context>

<pallas_src>
import functools

import jax
import jax.numpy as jnp
from jax import lax
from jax.experimental import pallas as pl
from jax.experimental.pallas import tpu as pltpu
from jax.experimental.pallas import tpu_sc as plsc

N = 10000
E = 160000
D = 256
R = 8
B = 8
H = 128

NSUB = 16
CHUNK = 128
CH = 79
EPAD = NSUB * CH * CHUNK
TRASH = N
ACC_ROWS = N + 8
MB = 5000
NMB = N // MB
ZB = 1000



IB = EPAD // CHUNK


def _front1_body(x_ref, win_ref, bin_ref, c1_ref, bs1_ref, c2_ref, bs2_ref,
                 src_ref, et_ref,
                 lo_ref, hi_ref, h_ref, gidx_ref, w2_ref, w_s):
    m = pl.program_id(0)
    r = pl.program_id(1)

    @pl.when(jnp.logical_and(m == 0, r == 0))
    def _():
        w1v = jnp.dot(c1_ref[...].astype(jnp.bfloat16),
                      bs1_ref[...].astype(jnp.bfloat16),
                      preferred_element_type=jnp.float32)
        for rr in range(R):
            w_s[rr] = w1v[rr].astype(jnp.bfloat16).reshape(D, D)
        w2_ref[...] = jnp.dot(c2_ref[...].astype(jnp.bfloat16),
                              bs2_ref[...].astype(jnp.bfloat16),
                              preferred_element_type=jnp.float32)
        gidx_ref[...] = et_ref[...] * N + src_ref[...]

    @pl.when(r == 0)
    def _():
        xb = x_ref[...].astype(jnp.bfloat16)
        wb = win_ref[...].astype(jnp.bfloat16)
        h_ref[...] = (jnp.dot(xb, wb, preferred_element_type=jnp.float32)
                      + bin_ref[...])

    hb = h_ref[...].astype(jnp.bfloat16)
    o = jnp.dot(hb, w_s[r], preferred_element_type=jnp.float32)
    lo_ref[...] = o[:, :H]
    hi_ref[...] = o[:, H:]


def _front1(x, W_in, b_in2, coef1, bases1f, coef2, bases2f, src2, et2):
    return pl.pallas_call(
        _front1_body,
        grid=(NMB, R),
        in_specs=[
            pl.BlockSpec((MB, D), lambda m, r: (m, 0)),
            pl.BlockSpec((D, D), lambda m, r: (0, 0)),
            pl.BlockSpec((1, D), lambda m, r: (0, 0)),
            pl.BlockSpec((R, B), lambda m, r: (0, 0)),
            pl.BlockSpec((B, D * D), lambda m, r: (0, 0)),
            pl.BlockSpec((R, B), lambda m, r: (0, 0)),
            pl.BlockSpec((B, D * D), lambda m, r: (0, 0)),
            pl.BlockSpec((IB, CHUNK), lambda m, r: (0, 0)),
            pl.BlockSpec((IB, CHUNK), lambda m, r: (0, 0)),
        ],
        out_specs=[
            pl.BlockSpec((MB, H), lambda m, r: (r * NMB + m, 0)),
            pl.BlockSpec((MB, H), lambda m, r: (r * NMB + m, 0)),
            pl.BlockSpec((MB, D), lambda m, r: (m, 0)),
            pl.BlockSpec((IB, CHUNK), lambda m, r: (0, 0)),
            pl.BlockSpec((R, D * D), lambda m, r: (0, 0)),
        ],
        out_shape=[
            jax.ShapeDtypeStruct((R * N, H), jnp.float32),
            jax.ShapeDtypeStruct((R * N, H), jnp.float32),
            jax.ShapeDtypeStruct((N, D), jnp.float32),
            jax.ShapeDtypeStruct((IB, CHUNK), jnp.int32),
            jax.ShapeDtypeStruct((R, D * D), jnp.float32),
        ],
        scratch_shapes=[pltpu.VMEM((R, D, D), jnp.bfloat16)],
    )(x, W_in, b_in2, coef1, bases1f, coef2, bases2f, src2, et2)


def _front2_body(h_ref, w_ref, lo_ref, hi_ref, w_s):
    m = pl.program_id(0)
    r = pl.program_id(1)

    @pl.when(m == 0)
    def _():
        w_s[r] = w_ref[r].astype(jnp.bfloat16).reshape(D, D)

    hb = h_ref[...].astype(jnp.bfloat16)
    o = jnp.dot(hb, w_s[r], preferred_element_type=jnp.float32)
    lo_ref[...] = o[:, :H]
    hi_ref[...] = o[:, H:]


def _front2(h, w2d):
    return pl.pallas_call(
        _front2_body,
        grid=(NMB, R),
        in_specs=[
            pl.BlockSpec((MB, D), lambda m, r: (m, 0)),
            pl.BlockSpec((R, D * D), lambda m, r: (0, 0)),
        ],
        out_specs=[
            pl.BlockSpec((MB, H), lambda m, r: (r * NMB + m, 0)),
            pl.BlockSpec((MB, H), lambda m, r: (r * NMB + m, 0)),
        ],
        out_shape=[
            jax.ShapeDtypeStruct((R * N, H), jnp.float32),
            jax.ShapeDtypeStruct((R * N, H), jnp.float32),
        ],
        scratch_shapes=[pltpu.VMEM((R, D, D), jnp.bfloat16)],
    )(h, w2d)


def _ln_body(lo_ref, hi_ref, h_ref, ws_ref, bias_ref, g_ref, b_ref, o_ref, *,
             relu):
    hb = h_ref[...].astype(jnp.bfloat16)
    wb = ws_ref[...].astype(jnp.bfloat16)
    s = jnp.dot(hb, wb, preferred_element_type=jnp.float32)
    o = jnp.concatenate([lo_ref[...], hi_ref[...]], axis=1) + s + bias_ref[...]
    mu = jnp.mean(o, axis=1, keepdims=True)
    d = o - mu
    var = jnp.mean(d * d, axis=1, keepdims=True)
    y = d * lax.rsqrt(var + 1e-5) * g_ref[...] + b_ref[...]
    if relu:
        y = jnp.maximum(y, 0.0)
    o_ref[...] = y


def _ln(agg_lo, agg_hi, h, Wself, bias2, g2, b2, relu):
    return pl.pallas_call(
        functools.partial(_ln_body, relu=relu),
        grid=(NMB,),
        in_specs=[
            pl.BlockSpec((MB, H), lambda m: (m, 0)),
            pl.BlockSpec((MB, H), lambda m: (m, 0)),
            pl.BlockSpec((MB, D), lambda m: (m, 0)),
            pl.BlockSpec((D, D), lambda m: (0, 0)),
            pl.BlockSpec((1, D), lambda m: (0, 0)),
            pl.BlockSpec((1, D), lambda m: (0, 0)),
            pl.BlockSpec((1, D), lambda m: (0, 0)),
        ],
        out_specs=pl.BlockSpec((MB, D), lambda m: (m, 0)),
        out_shape=jax.ShapeDtypeStruct((N, D), jnp.float32),
    )(agg_lo, agg_hi, h, Wself, bias2, g2, b2)



def _sc_agg_body(hlo_hbm, hhi_hbm, gidx_hbm, dst_hbm, zer_hbm,
                 outlo_hbm, outhi_hbm,
                 gidx_v, dst_v, rows_v, acc, sem):
    c = lax.axis_index("c")
    s = lax.axis_index("s")

    @pl.when(s < 10)
    def _():
        pltpu.sync_copy(zer_hbm, acc.at[pl.ds(s * ZB, ZB)])

    @pl.when(s == 10)
    def _():
        pltpu.sync_copy(zer_hbm.at[pl.ds(0, 8)], acc.at[pl.ds(N, 8)])

    pltpu.sync_copy(gidx_hbm.at[s], gidx_v)
    pltpu.sync_copy(dst_hbm.at[s], dst_v)
    plsc.subcore_barrier()

    def edge_loop(table):
        @pl.loop(0, CH)
        def _(j):
            pltpu.async_copy(table.at[gidx_v.at[j]], rows_v, sem).wait()
            pltpu.sync_copy(rows_v, acc.at[dst_v.at[j]], add=True)

    @pl.when(c == 0)
    def _():
        edge_loop(hlo_hbm)

    @pl.when(c == 1)
    def _():
        edge_loop(hhi_hbm)

    plsc.subcore_barrier()

    @pl.when(jnp.logical_and(s < 10, c == 0))
    def _():
        pltpu.sync_copy(acc.at[pl.ds(s * ZB, ZB)], outlo_hbm.at[pl.ds(s * ZB, ZB)])

    @pl.when(jnp.logical_and(s < 10, c == 1))
    def _():
        pltpu.sync_copy(acc.at[pl.ds(s * ZB, ZB)], outhi_hbm.at[pl.ds(s * ZB, ZB)])


@functools.cache
def _sc_agg_kernel():
    mesh = plsc.VectorSubcoreMesh(core_axis_name="c", subcore_axis_name="s",
                                  num_cores=2, num_subcores=NSUB)
    return pl.kernel(
        _sc_agg_body,
        out_type=(
            jax.ShapeDtypeStruct((N, H), jnp.float32),
            jax.ShapeDtypeStruct((N, H), jnp.float32),
        ),
        mesh=mesh,
        scratch_types=[
            pltpu.VMEM((CH, CHUNK), jnp.int32),
            pltpu.VMEM((CH, CHUNK), jnp.int32),
            pltpu.VMEM((CHUNK, H), jnp.float32),
            pltpu.VMEM_SHARED((ACC_ROWS, H), jnp.float32),
            pltpu.SemaphoreType.DMA,
        ],
    )


def _sc_agg(hlo, hhi, gidx3, dst3, zer):
    return _sc_agg_kernel()(hlo, hhi, gidx3, dst3, zer)



def kernel(x, edge_index, etypes, W_in, b_in, bases1, coef1, Wself1, bias1,
           ln1_g, ln1_b, bases2, coef2, Wself2, bias2, ln2_g, ln2_b):
    pad = EPAD - E
    src_p = jnp.pad(edge_index[0].astype(jnp.int32), (0, pad))
    et_p = jnp.pad(etypes.astype(jnp.int32), (0, pad))
    dst_p = jnp.pad(edge_index[1].astype(jnp.int32), (0, pad),
                    constant_values=TRASH)
    src2 = src_p.reshape(IB, CHUNK)
    et2 = et_p.reshape(IB, CHUNK)
    dst3 = dst_p.reshape(NSUB, CH, CHUNK)
    zer = jnp.zeros((ZB, H), jnp.float32)

    hlo, hhi, h, gidx2, w2 = _front1(
        x, W_in, b_in.reshape(1, D), coef1, bases1.reshape(B, D * D),
        coef2, bases2.reshape(B, D * D), src2, et2)
    gidx3 = gidx2.reshape(NSUB, CH, CHUNK)
    agg_lo, agg_hi = _sc_agg(hlo, hhi, gidx3, dst3, zer)
    h = _ln(agg_lo, agg_hi, h, Wself1, bias1.reshape(1, D),
            ln1_g.reshape(1, D), ln1_b.reshape(1, D), True)

    hlo, hhi = _front2(h, w2)
    agg_lo, agg_hi = _sc_agg(hlo, hhi, gidx3, dst3, zer)
    h = _ln(agg_lo, agg_hi, h, Wself2, bias2.reshape(1, D),
            ln2_g.reshape(1, D), ln2_b.reshape(1, D), False)
    return h

# --- scband reference (transcript-rebuilt; emitter-appended) ---
"""Pipeline reference for scband-rgcn-63651415327102 (READ-ONLY COPY).

The authoritative reference and input builder live on the scoring server;
editing this copy changes nothing except your own understanding.
"""

import jax, jax.numpy as jnp
import numpy as np

N = 10000
E = 160000
D = 256
R = 8
B = 8

def setup_inputs(seed: int = 0) -> dict:
    key = jax.random.key(seed)
    ks = jax.random.split(key, 20)
    inp = {}
    inp['x'] = jax.random.normal(ks[0], (N, D), dtype=jnp.float32)
    inp['edge_index'] = jax.random.randint(ks[1], (2, E), 0, N, dtype=jnp.int64)
    inp['etypes'] = jax.random.randint(ks[2], (E,), 0, R, dtype=jnp.int64)
    s = 1.0 / np.sqrt(D)
    inp['W_in'] = jax.random.uniform(ks[3], (D, D), jnp.float32, -s, s)
    inp['b_in'] = jnp.zeros((D,), jnp.float32)
    inp['bases1'] = jax.random.normal(ks[4], (B, D, D), jnp.float32) * s
    inp['coef1'] = jax.random.normal(ks[5], (R, B), jnp.float32) * (1.0 / np.sqrt(B))
    inp['Wself1'] = jax.random.uniform(ks[6], (D, D), jnp.float32, -s, s)
    inp['bias1'] = jnp.zeros((D,), jnp.float32)
    inp['ln1_g'] = jnp.ones((D,), jnp.float32)
    inp['ln1_b'] = jnp.zeros((D,), jnp.float32)
    inp['bases2'] = jax.random.normal(ks[7], (B, D, D), jnp.float32) * s
    inp['coef2'] = jax.random.normal(ks[8], (R, B), jnp.float32) * (1.0 / np.sqrt(B))
    inp['Wself2'] = jax.random.uniform(ks[9], (D, D), jnp.float32, -s, s)
    inp['bias2'] = jnp.zeros((D,), jnp.float32)
    inp['ln2_g'] = jnp.ones((D,), jnp.float32)
    inp['ln2_b'] = jnp.zeros((D,), jnp.float32)
    return inp

def _layer(h, src, dst, etypes, bases, coef, Wself, bias, g, b, relu):
    # basis decomposition: W_r = sum_b coef[r,b] * bases[b]
    W = jnp.einsum('rb,bio->rio', coef, bases)          # [R, D, D]
    h_rel = jnp.einsum('ni,rio->rno', h, W)             # [R, N, D] per-relation transform
    msg = h_rel[etypes, src]                            # [E, D] gather per edge
    agg = jax.ops.segment_sum(msg, dst, num_segments=h.shape[0])
    out = agg + h @ Wself + bias                        # self-loop + bias
    mu = jnp.mean(out, axis=-1, keepdims=True)
    var = jnp.var(out, axis=-1, keepdims=True)
    out = (out - mu) / jnp.sqrt(var + 1e-5) * g + b     # LayerNorm
    if relu:
        out = jax.nn.relu(out)
    # dropout omitted (eval mode)
    return out

def reference(x, edge_index, etypes, W_in, b_in, bases1, coef1, Wself1, bias1, ln1_g, ln1_b, bases2, coef2, Wself2, bias2, ln2_g, ln2_b):
    src = edge_index[0]
    dst = edge_index[1]
    h = x @ W_in + b_in                                 # input projection
    h = _layer(h, src, dst, etypes, bases1, coef1, Wself1, bias1, ln1_g, ln1_b, True)
    h = _layer(h, src, dst, etypes, bases2, coef2, Wself2, bias2, ln2_g, ln2_b, False)
    return h

if __name__ == "__main__":
    import jax
    _d = setup_inputs()
    print(jax.jit(kernel)(*tuple(_d.values())))

</pallas_src>

<mosaic_0001>
#map = affine_map<(d0, d1) -> (0, 0)>
#map1 = affine_map<(d0, d1) -> (0, 0, 0)>
module attributes {stable_mosaic.version = 14 : i64} {
  func.func @_sc_agg_body(%arg0: i32, %arg1: i32, %arg2: memref<80000x128xf32, #tpu.memory_space<hbm>>, %arg3: memref<80000x128xf32, #tpu.memory_space<hbm>>, %arg4: memref<16x79x128xi32, #tpu.memory_space<hbm>>, %arg5: memref<16x79x128xi32, #tpu.memory_space<hbm>>, %arg6: memref<1000x128xf32, #tpu.memory_space<hbm>>, %arg7: memref<10000x128xf32, #tpu.memory_space<hbm>>, %arg8: memref<10000x128xf32, #tpu.memory_space<hbm>>, %arg9: memref<79x128xi32, #tpu.memory_space<vmem>>, %arg10: memref<79x128xi32, #tpu.memory_space<vmem>>, %arg11: memref<128x128xf32, #tpu.memory_space<vmem>>, %arg12: memref<10008x128xf32, #tpu.memory_space<vmem_shared>>, %arg13: memref<!tpu.dma_semaphore, #tpu.memory_space<semaphore_mem>>) attributes {dimension_semantics = [#tpu.dimension_semantics<core_parallel>, #tpu.dimension_semantics<subcore_parallel>], iteration_bounds = array<i64: 2, 16>, scalar_prefetch = 0 : i64, scratch_operands = 5 : i64, tpu.core_type = #tpu.core_type<sc_vector_subcore>, window_params = [{transform_indices = #map}, {transform_indices = #map}, {transform_indices = #map1}, {transform_indices = #map1}, {transform_indices = #map}, {transform_indices = #map}, {transform_indices = #map}]} {
    %lt3A = arith.constant 10 : i32
    %lt3A_0 = arith.cmpi slt, %arg1, %lt3A : i32
    %convert_element_type3A = arith.extui %lt3A_0 : i1 to i32
    %cond3A = arith.constant 0 : i32
    %cond3A_1 = arith.cmpi ne, %convert_element_type3A, %cond3A : i32
    scf.if %cond3A_1 {
      %mul3A = arith.constant 1000 : i32
      %mul3A_32 = arith.muli %arg1, %mul3A : i32
      "tpu.region"() ({
        %run_scoped3A = tpu.sem_alloc : memref<!tpu.dma_semaphore, #tpu.memory_space<semaphore_mem>>
        %dma_start3A = arith.constant 0 : i32
        %dma_start3A_33 = tpu.memref_slice %arg12[%mul3A_32, %dma_start3A] : memref<10008x128xf32, #tpu.memory_space<vmem_shared>> -> memref<1000x128xf32, #tpu.memory_space<vmem_shared>>
        tpu.enqueue_dma source(%arg6 : memref<1000x128xf32, #tpu.memory_space<hbm>>) target(%dma_start3A_33 : memref<1000x128xf32, #tpu.memory_space<vmem_shared>>) target_semaphore(%run_scoped3A : memref<!tpu.dma_semaphore, #tpu.memory_space<semaphore_mem>>)
        %dma_wait3A = arith.constant 0 : i32
        %dma_wait3A_34 = tpu.memref_slice %arg12[%mul3A_32, %dma_wait3A] : memref<10008x128xf32, #tpu.memory_space<vmem_shared>> -> memref<1000x128xf32, #tpu.memory_space<vmem_shared>>
        tpu.wait_dma2 semaphore(%run_scoped3A : memref<!tpu.dma_semaphore, #tpu.memory_space<semaphore_mem>>) src(%arg6 : memref<1000x128xf32, #tpu.memory_space<hbm>>) dst(%dma_wait3A_34 : memref<1000x128xf32, #tpu.memory_space<vmem_shared>>)
        tpu.yield
      }) : () -> ()
    } else {
    }
    %eq3A = arith.constant 10 : i32
    %eq3A_2 = arith.cmpi eq, %arg1, %eq3A : i32
    %convert_element_type3A_3 = arith.extui %eq3A_2 : i1 to i32
    %cond3A_4 = arith.constant 0 : i32
    %cond3A_5 = arith.cmpi ne, %convert_element_type3A_3, %cond3A_4 : i32
    scf.if %cond3A_5 {
      "tpu.region"() ({
        %run_scoped3A = tpu.sem_alloc : memref<!tpu.dma_semaphore, #tpu.memory_space<semaphore_mem>>
        %dma_start3A = arith.constant 10000 : i32
        %dma_start3A_32 = arith.constant 0 : i32
        %dma_start3A_33 = tpu.memref_slice %arg12[%dma_start3A, %dma_start3A_32] : memref<10008x128xf32, #tpu.memory_space<vmem_shared>> -> memref<8x128xf32, #tpu.memory_space<vmem_shared>>
        %dma_start3A_34 = arith.constant 0 : i32
        %dma_start3A_35 = arith.constant 0 : i32
        %dma_start3A_36 = tpu.memref_slice %arg6[%dma_start3A_34, %dma_start3A_35] : memref<1000x128xf32, #tpu.memory_space<hbm>> -> memref<8x128xf32, #tpu.memory_space<hbm>>
        tpu.enqueue_dma source(%dma_start3A_36 : memref<8x128xf32, #tpu.memory_space<hbm>>) target(%dma_start3A_33 : memref<8x128xf32, #tpu.memory_space<vmem_shared>>) target_semaphore(%run_scoped3A : memref<!tpu.dma_semaphore, #tpu.memory_space<semaphore_mem>>)
        %dma_wait3A = arith.constant 10000 : i32
        %dma_wait3A_37 = arith.constant 0 : i32
        %dma_wait3A_38 = tpu.memref_slice %arg12[%dma_wait3A, %dma_wait3A_37] : memref<10008x128xf32, #tpu.memory_space<vmem_shared>> -> memref<8x128xf32, #tpu.memory_space<vmem_shared>>
        %dma_wait3A_39 = arith.constant 0 : i32
        %dma_wait3A_40 = arith.constant 0 : i32
        %dma_wait3A_41 = tpu.memref_slice %arg6[%dma_wait3A_39, %dma_wait3A_40] : memref<1000x128xf32, #tpu.memory_space<hbm>> -> memref<8x128xf32, #tpu.memory_space<hbm>>
        tpu.wait_dma2 semaphore(%run_scoped3A : memref<!tpu.dma_semaphore, #tpu.memory_space<semaphore_mem>>) src(%dma_wait3A_41 : memref<8x128xf32, #tpu.memory_space<hbm>>) dst(%dma_wait3A_38 : memref<8x128xf32, #tpu.memory_space<vmem_shared>>)
        tpu.yield
      }) : () -> ()
    } else {
    }
    "tpu.region"() ({
      %run_scoped3A = tpu.sem_alloc : memref<!tpu.dma_semaphore, #tpu.memory_space<semaphore_mem>>
      %dma_start3A = arith.constant 0 : i32
      %dma_start3A_32 = arith.constant 0 : i32
      %dma_start3A_33 = tpu.memref_slice %arg4[%arg1, %dma_start3A, %dma_start3A_32] : memref<16x79x128xi32, #tpu.memory_space<hbm>> -> memref<1x79x128xi32, #tpu.memory_space<hbm>>
      %dma_start3A_34 = tpu.memref_squeeze %dma_start3A_33 : memref<1x79x128xi32, #tpu.memory_space<hbm>> -> memref<79x128xi32, #tpu.memory_space<hbm>>
      %dma_start3A_35 = arith.constant 0 : i32
      %dma_start3A_36 = arith.constant 0 : i32
      %dma_start3A_37 = tpu.memref_slice %arg4[%arg1, %dma_start3A_35, %dma_start3A_36] : memref<16x79x128xi32, #tpu.memory_space<hbm>> -> memref<1x79x128xi32, #tpu.memory_space<hbm>>
      %dma_start3A_38 = tpu.memref_squeeze %dma_start3A_37 : memref<1x79x128xi32, #tpu.memory_space<hbm>> -> memref<79x128xi32, #tpu.memory_space<hbm>>
      tpu.enqueue_dma source(%dma_start3A_38 : memref<79x128xi32, #tpu.memory_space<hbm>>) target(%arg9 : memref<79x128xi32, #tpu.memory_space<vmem>>) target_semaphore(%run_scoped3A : memref<!tpu.dma_semaphore, #tpu.memory_space<semaphore_mem>>)
      %dma_wait3A = arith.constant 0 : i32
      %dma_wait3A_39 = arith.constant 0 : i32
      %dma_wait3A_40 = tpu.memref_slice %arg4[%arg1, %dma_wait3A, %dma_wait3A_39] : memref<16x79x128xi32, #tpu.memory_space<hbm>> -> memref<1x79x128xi32, #tpu.memory_space<hbm>>
      %dma_wait3A_41 = tpu.memref_squeeze %dma_wait3A_40 : memref<1x79x128xi32, #tpu.memory_space<hbm>> -> memref<79x128xi32, #tpu.memory_space<hbm>>
      %dma_wait3A_42 = arith.constant 0 : i32
      %dma_wait3A_43 = arith.constant 0 : i32
      %dma_wait3A_44 = tpu.memref_slice %arg4[%arg1, %dma_wait3A_42, %dma_wait3A_43] : memref<16x79x128xi32, #tpu.memory_space<hbm>> -> memref<1x79x128xi32, #tpu.memory_space<hbm>>
      %dma_wait3A_45 = tpu.memref_squeeze %dma_wait3A_44 : memref<1x79x128xi32, #tpu.memory_space<hbm>> -> memref<79x128xi32, #tpu.memory_space<hbm>>
      tpu.wait_dma2 semaphore(%run_scoped3A : memref<!tpu.dma_semaphore, #tpu.memory_space<semaphore_mem>>) src(%dma_wait3A_45 : memref<79x128xi32, #tpu.memory_space<hbm>>) dst(%arg9 : memref<79x128xi32, #tpu.memory_space<vmem>>)
      tpu.yield
    }) : () -> ()
    "tpu.region"() ({
      %run_scoped3A = tpu.sem_alloc : memref<!tpu.dma_semaphore, #tpu.memory_space<semaphore_mem>>
      %dma_start3A = arith.constant 0 : i32
      %dma_start3A_32 = arith.constant 0 : i32
      %dma_start3A_33 = tpu.memref_slice %arg5[%arg1, %dma_start3A, %dma_start3A_32] : memref<16x79x128xi32, #tpu.memory_space<hbm>> -> memref<1x79x128xi32, #tpu.memory_space<hbm>>
      %dma_start3A_34 = tpu.memref_squeeze %dma_start3A_33 : memref<1x79x128xi32, #tpu.memory_space<hbm>> -> memref<79x128xi32, #tpu.memory_space<hbm>>
      %dma_start3A_35 = arith.constant 0 : i32
      %dma_start3A_36 = arith.constant 0 : i32
      %dma_start3A_37 = tpu.memref_slice %arg5[%arg1, %dma_start3A_35, %dma_start3A_36] : memref<16x79x128xi32, #tpu.memory_space<hbm>> -> memref<1x79x128xi32, #tpu.memory_space<hbm>>
      %dma_start3A_38 = tpu.memref_squeeze %dma_start3A_37 : memref<1x79x128xi32, #tpu.memory_space<hbm>> -> memref<79x128xi32, #tpu.memory_space<hbm>>
      tpu.enqueue_dma source(%dma_start3A_38 : memref<79x128xi32, #tpu.memory_space<hbm>>) target(%arg10 : memref<79x128xi32, #tpu.memory_space<vmem>>) target_semaphore(%run_scoped3A : memref<!tpu.dma_semaphore, #tpu.memory_space<semaphore_mem>>)
      %dma_wait3A = arith.constant 0 : i32
      %dma_wait3A_39 = arith.constant 0 : i32
      %dma_wait3A_40 = tpu.memref_slice %arg5[%arg1, %dma_wait3A, %dma_wait3A_39] : memref<16x79x128xi32, #tpu.memory_space<hbm>> -> memref<1x79x128xi32, #tpu.memory_space<hbm>>
      %dma_wait3A_41 = tpu.memref_squeeze %dma_wait3A_40 : memref<1x79x128xi32, #tpu.memory_space<hbm>> -> memref<79x128xi32, #tpu.memory_space<hbm>>
      %dma_wait3A_42 = arith.constant 0 : i32
      %dma_wait3A_43 = arith.constant 0 : i32
      %dma_wait3A_44 = tpu.memref_slice %arg5[%arg1, %dma_wait3A_42, %dma_wait3A_43] : memref<16x79x128xi32, #tpu.memory_space<hbm>> -> memref<1x79x128xi32, #tpu.memory_space<hbm>>
      %dma_wait3A_45 = tpu.memref_squeeze %dma_wait3A_44 : memref<1x79x128xi32, #tpu.memory_space<hbm>> -> memref<79x128xi32, #tpu.memory_space<hbm>>
      tpu.wait_dma2 semaphore(%run_scoped3A : memref<!tpu.dma_semaphore, #tpu.memory_space<semaphore_mem>>) src(%dma_wait3A_45 : memref<79x128xi32, #tpu.memory_space<hbm>>) dst(%arg10 : memref<79x128xi32, #tpu.memory_space<vmem>>)
      tpu.yield
    }) : () -> ()
    %barrier3A = arith.constant 0 : index
    tpu.barrier barrier_id(%barrier3A)
    %eq3A_6 = arith.constant 0 : i32
    %eq3A_7 = arith.cmpi eq, %arg0, %eq3A_6 : i32
    %convert_element_type3A_8 = arith.extui %eq3A_7 : i1 to i32
    %cond3A_9 = arith.constant 0 : i32
    %cond3A_10 = arith.cmpi ne, %convert_element_type3A_8, %cond3A_9 : i32
    scf.if %cond3A_10 {
      %scan3A = arith.constant 0 : i32
      %scan3A_32 = arith.constant 79 : i32
      %scan3A_33 = arith.addi %scan3A, %scan3A_32 : i32
      %scan3A_34 = arith.constant 1 : i32
      scf.for %scan3A_36 = %scan3A to %scan3A_33 step %scan3A_34  : i32 {
        %mul3A = arith.constant 1 : i32
        %mul3A_37 = arith.muli %scan3A_36, %mul3A : i32
        %add3A = arith.constant 0 : i32
        %add3A_38 = arith.addi %add3A, %mul3A_37 : i32
        %dma_start3A = arith.constant 0 : i32
        %dma_start3A_39 = tpu.memref_slice %arg9[%add3A_38, %dma_start3A] : memref<79x128xi32, #tpu.memory_space<vmem>> -> memref<1x128xi32, #tpu.memory_space<vmem>>
        %dma_start3A_40 = tpu.memref_squeeze %dma_start3A_39 : memref<1x128xi32, #tpu.memory_space<vmem>> -> memref<128xi32, #tpu.memory_space<vmem>>
        %dma_start3A_41 = arith.constant 0 : i32
        %dma_start3A_42 = arith.constant 0 : i32
        %dma_start3A_43 = tpu.memref_slice %arg2[%dma_start3A_41, %dma_start3A_42] : memref<80000x128xf32, #tpu.memory_space<hbm>> -> memref<80000x128xf32, #tpu.memory_space<hbm>>
        tpu.enqueue_indirect_dma source(%dma_start3A_43 : memref<80000x128xf32, #tpu.memory_space<hbm>>) target(%arg11 : memref<128x128xf32, #tpu.memory_space<vmem>>) offsets(%dma_start3A_40 : memref<128xi32, #tpu.memory_space<vmem>>) semaphore(%arg13 : memref<!tpu.dma_semaphore, #tpu.memory_space<semaphore_mem>>)
        %dma_wait3A = arith.constant 0 : i32
        %dma_wait3A_44 = tpu.memref_slice %arg9[%add3A_38, %dma_wait3A] : memref<79x128xi32, #tpu.memory_space<vmem>> -> memref<1x128xi32, #tpu.memory_space<vmem>>
        %dma_wait3A_45 = tpu.memref_squeeze %dma_wait3A_44 : memref<1x128xi32, #tpu.memory_space<vmem>> -> memref<128xi32, #tpu.memory_space<vmem>>
        %dma_wait3A_46 = arith.constant 0 : i32
        %dma_wait3A_47 = arith.constant 0 : i32
        %dma_wait3A_48 = tpu.memref_slice %arg2[%dma_wait3A_46, %dma_wait3A_47] : memref<80000x128xf32, #tpu.memory_space<hbm>> -> memref<80000x128xf32, #tpu.memory_space<hbm>>
        tpu.wait_indirect_dma semaphore(%arg13 : memref<!tpu.dma_semaphore, #tpu.memory_space<semaphore_mem>>) src(%dma_wait3A_48 : memref<80000x128xf32, #tpu.memory_space<hbm>>) dst(%arg11 : memref<128x128xf32, #tpu.memory_space<vmem>>)
        "tpu.region"() ({
          %run_scoped3A = tpu.sem_alloc : memref<!tpu.dma_semaphore, #tpu.memory_space<semaphore_mem>>
          %dma_start3A_49 = arith.constant 0 : i32
          %dma_start3A_50 = tpu.memref_slice %arg10[%add3A_38, %dma_start3A_49] : memref<79x128xi32, #tpu.memory_space<vmem>> -> memref<1x128xi32, #tpu.memory_space<vmem>>
          %dma_start3A_51 = tpu.memref_squeeze %dma_start3A_50 : memref<1x128xi32, #tpu.memory_space<vmem>> -> memref<128xi32, #tpu.memory_space<vmem>>
          %dma_start3A_52 = arith.constant 0 : i32
          %dma_start3A_53 = arith.constant 0 : i32
          %dma_start3A_54 = tpu.memref_slice %arg12[%dma_start3A_52, %dma_start3A_53] : memref<10008x128xf32, #tpu.memory_space<vmem_shared>> -> memref<10008x128xf32, #tpu.memory_space<vmem_shared>>
          tpu.enqueue_indirect_dma source(%arg11 : memref<128x128xf32, #tpu.memory_space<vmem>>) target(%dma_start3A_54 : memref<10008x128xf32, #tpu.memory_space<vmem_shared>>) offsets(%dma_start3A_51 : memref<128xi32, #tpu.memory_space<vmem>>) semaphore(%run_scoped3A : memref<!tpu.dma_semaphore, #tpu.memory_space<semaphore_mem>>) {add = true}
          %dma_wait3A_55 = arith.constant 0 : i32
          %dma_wait3A_56 = tpu.memref_slice %arg10[%add3A_38, %dma_wait3A_55] : memref<79x128xi32, #tpu.memory_space<vmem>> -> memref<1x128xi32, #tpu.memory_space<vmem>>
          %dma_wait3A_57 = tpu.memref_squeeze %dma_wait3A_56 : memref<1x128xi32, #tpu.memory_space<vmem>> -> memref<128xi32, #tpu.memory_space<vmem>>
          %dma_wait3A_58 = arith.constant 0 : i32
          %dma_wait3A_59 = arith.constant 0 : i32
          %dma_wait3A_60 = tpu.memref_slice %arg12[%dma_wait3A_58, %dma_wait3A_59] : memref<10008x128xf32, #tpu.memory_space<vmem_shared>> -> memref<10008x128xf32, #tpu.memory_space<vmem_shared>>
          tpu.wait_indirect_dma semaphore(%run_scoped3A : memref<!tpu.dma_semaphore, #tpu.memory_space<semaphore_mem>>) src(%arg11 : memref<128x128xf32, #tpu.memory_space<vmem>>) dst(%dma_wait3A_60 : memref<10008x128xf32, #tpu.memory_space<vmem_shared>>)
          tpu.yield
        }) : () -> ()
      }
      %scan3A_35 = arith.constant 79 : i32
    } else {
    }
    %eq3A_11 = arith.constant 1 : i32
    %eq3A_12 = arith.cmpi eq, %arg0, %eq3A_11 : i32
    %convert_element_type3A_13 = arith.extui %eq3A_12 : i1 to i32
    %cond3A_14 = arith.constant 0 : i32
    %cond3A_15 = arith.cmpi ne, %convert_element_type3A_13, %cond3A_14 : i32
    scf.if %cond3A_15 {
      %scan3A = arith.constant 0 : i32
      %scan3A_32 = arith.constant 79 : i32
      %scan3A_33 = arith.addi %scan3A, %scan3A_32 : i32
      %scan3A_34 = arith.constant 1 : i32
      scf.for %scan3A_36 = %scan3A to %scan3A_33 step %scan3A_34  : i32 {
        %mul3A = arith.constant 1 : i32
        %mul3A_37 = arith.muli %scan3A_36, %mul3A : i32
        %add3A = arith.constant 0 : i32
        %add3A_38 = arith.addi %add3A, %mul3A_37 : i32
        %dma_start3A = arith.constant 0 : i32
        %dma_start3A_39 = tpu.memref_slice %arg9[%add3A_38, %dma_start3A] : memref<79x128xi32, #tpu.memory_space<vmem>> -> memref<1x128xi32, #tpu.memory_space<vmem>>
        %dma_start3A_40 = tpu.memref_squeeze %dma_start3A_39 : memref<1x128xi32, #tpu.memory_space<vmem>> -> memref<128xi32, #tpu.memory_space<vmem>>
        %dma_start3A_41 = arith.constant 0 : i32
        %dma_start3A_42 = arith.constant 0 : i32
        %dma_start3A_43 = tpu.memref_slice %arg3[%dma_start3A_41, %dma_start3A_42] : memref<80000x128xf32, #tpu.memory_space<hbm>> -> memref<80000x128xf32, #tpu.memory_space<hbm>>
        tpu.enqueue_indirect_dma source(%dma_start3A_43 : memref<80000x128xf32, #tpu.memory_space<hbm>>) target(%arg11 : memref<128x128xf32, #tpu.memory_space<vmem>>) offsets(%dma_start3A_40 : memref<128xi32, #tpu.memory_space<vmem>>) semaphore(%arg13 : memref<!tpu.dma_semaphore, #tpu.memory_space<semaphore_mem>>)
        %dma_wait3A = arith.constant 0 : i32
        %dma_wait3A_44 = tpu.memref_slice %arg9[%add3A_38, %dma_wait3A] : memref<79x128xi32, #tpu.memory_space<vmem>> -> memref<1x128xi32, #tpu.memory_space<vmem>>
        %dma_wait3A_45 = tpu.memref_squeeze %dma_wait3A_44 : memref<1x128xi32, #tpu.memory_space<vmem>> -> memref<128xi32, #tpu.memory_space<vmem>>
        %dma_wait3A_46 = arith.constant 0 : i32
        %dma_wait3A_47 = arith.constant 0 : i32
        %dma_wait3A_48 = tpu.memref_slice %arg3[%dma_wait3A_46, %dma_wait3A_47] : memref<80000x128xf32, #tpu.memory_space<hbm>> -> memref<80000x128xf32, #tpu.memory_space<hbm>>
        tpu.wait_indirect_dma semaphore(%arg13 : memref<!tpu.dma_semaphore, #tpu.memory_space<semaphore_mem>>) src(%dma_wait3A_48 : memref<80000x128xf32, #tpu.memory_space<hbm>>) dst(%arg11 : memref<128x128xf32, #tpu.memory_space<vmem>>)
        "tpu.region"() ({
          %run_scoped3A = tpu.sem_alloc : memref<!tpu.dma_semaphore, #tpu.memory_space<semaphore_mem>>
          %dma_start3A_49 = arith.constant 0 : i32
          %dma_start3A_50 = tpu.memref_slice %arg10[%add3A_38, %dma_start3A_49] : memref<79x128xi32, #tpu.memory_space<vmem>> -> memref<1x128xi32, #tpu.memory_space<vmem>>
          %dma_start3A_51 = tpu.memref_squeeze %dma_start3A_50 : memref<1x128xi32, #tpu.memory_space<vmem>> -> memref<128xi32, #tpu.memory_space<vmem>>
          %dma_start3A_52 = arith.constant 0 : i32
          %dma_start3A_53 = arith.constant 0 : i32
          %dma_start3A_54 = tpu.memref_slice %arg12[%dma_start3A_52, %dma_start3A_53] : memref<10008x128xf32, #tpu.memory_space<vmem_shared>> -> memref<10008x128xf32, #tpu.memory_space<vmem_shared>>
          tpu.enqueue_indirect_dma source(%arg11 : memref<128x128xf32, #tpu.memory_space<vmem>>) target(%dma_start3A_54 : memref<10008x128xf32, #tpu.memory_space<vmem_shared>>) offsets(%dma_start3A_51 : memref<128xi32, #tpu.memory_space<vmem>>) semaphore(%run_scoped3A : memref<!tpu.dma_semaphore, #tpu.memory_space<semaphore_mem>>) {add = true}
          %dma_wait3A_55 = arith.constant 0 : i32
          %dma_wait3A_56 = tpu.memref_slice %arg10[%add3A_38, %dma_wait3A_55] : memref<79x128xi32, #tpu.memory_space<vmem>> -> memref<1x128xi32, #tpu.memory_space<vmem>>
          %dma_wait3A_57 = tpu.memref_squeeze %dma_wait3A_56 : memref<1x128xi32, #tpu.memory_space<vmem>> -> memref<128xi32, #tpu.memory_space<vmem>>
          %dma_wait3A_58 = arith.constant 0 : i32
          %dma_wait3A_59 = arith.constant 0 : i32
          %dma_wait3A_60 = tpu.memref_slice %arg12[%dma_wait3A_58, %dma_wait3A_59] : memref<10008x128xf32, #tpu.memory_space<vmem_shared>> -> memref<10008x128xf32, #tpu.memory_space<vmem_shared>>
          tpu.wait_indirect_dma semaphore(%run_scoped3A : memref<!tpu.dma_semaphore, #tpu.memory_space<semaphore_mem>>) src(%arg11 : memref<128x128xf32, #tpu.memory_space<vmem>>) dst(%dma_wait3A_60 : memref<10008x128xf32, #tpu.memory_space<vmem_shared>>)
          tpu.yield
        }) : () -> ()
      }
      %scan3A_35 = arith.constant 79 : i32
    } else {
    }
    %barrier3A_16 = arith.constant 0 : index
    tpu.barrier barrier_id(%barrier3A_16)
    %lt3A_17 = arith.constant 10 : i32
    %lt3A_18 = arith.cmpi slt, %arg1, %lt3A_17 : i32
    %eq3A_19 = arith.constant 0 : i32
    %eq3A_20 = arith.cmpi eq, %arg0, %eq3A_19 : i32
    %and3A = arith.andi %lt3A_18, %eq3A_20 : i1
    %convert_element_type3A_21 = arith.extui %and3A : i1 to i32
    %cond3A_22 = arith.constant 0 : i32
    %cond3A_23 = arith.cmpi ne, %convert_element_type3A_21, %cond3A_22 : i32
    scf.if %cond3A_23 {
      %mul3A = arith.constant 1000 : i32
      %mul3A_32 = arith.muli %arg1, %mul3A : i32
      %mul3A_33 = arith.constant 1000 : i32
      %mul3A_34 = arith.muli %arg1, %mul3A_33 : i32
      "tpu.region"() ({
        %run_scoped3A = tpu.sem_alloc : memref<!tpu.dma_semaphore, #tpu.memory_space<semaphore_mem>>
        %dma_start3A = arith.constant 0 : i32
        %dma_start3A_35 = tpu.memref_slice %arg7[%mul3A_34, %dma_start3A] : memref<10000x128xf32, #tpu.memory_space<hbm>> -> memref<1000x128xf32, #tpu.memory_space<hbm>>
        %dma_start3A_36 = arith.constant 0 : i32
        %dma_start3A_37 = tpu.memref_slice %arg12[%mul3A_32, %dma_start3A_36] : memref<10008x128xf32, #tpu.memory_space<vmem_shared>> -> memref<1000x128xf32, #tpu.memory_space<vmem_shared>>
        tpu.enqueue_dma source(%dma_start3A_37 : memref<1000x128xf32, #tpu.memory_space<vmem_shared>>) target(%dma_start3A_35 : memref<1000x128xf32, #tpu.memory_space<hbm>>) target_semaphore(%run_scoped3A : memref<!tpu.dma_semaphore, #tpu.memory_space<semaphore_mem>>)
        %dma_wait3A = arith.constant 0 : i32
        %dma_wait3A_38 = tpu.memref_slice %arg7[%mul3A_34, %dma_wait3A] : memref<10000x128xf32, #tpu.memory_space<hbm>> -> memref<1000x128xf32, #tpu.memory_space<hbm>>
        %dma_wait3A_39 = arith.constant 0 : i32
        %dma_wait3A_40 = tpu.memref_slice %arg12[%mul3A_32, %dma_wait3A_39] : memref<10008x128xf32, #tpu.memory_space<vmem_shared>> -> memref<1000x128xf32, #tpu.memory_space<vmem_shared>>
        tpu.wait_dma2 semaphore(%run_scoped3A : memref<!tpu.dma_semaphore, #tpu.memory_space<semaphore_mem>>) src(%dma_wait3A_40 : memref<1000x128xf32, #tpu.memory_space<vmem_shared>>) dst(%dma_wait3A_38 : memref<1000x128xf32, #tpu.memory_space<hbm>>)
        tpu.yield
      }) : () -> ()
    } else {
    }
    %lt3A_24 = arith.constant 10 : i32
    %lt3A_25 = arith.cmpi slt, %arg1, %lt3A_24 : i32
    %eq3A_26 = arith.constant 1 : i32
    %eq3A_27 = arith.cmpi eq, %arg0, %eq3A_26 : i32
    %and3A_28 = arith.andi %lt3A_25, %eq3A_27 : i1
    %convert_element_type3A_29 = arith.extui %and3A_28 : i1 to i32
    %cond3A_30 = arith.constant 0 : i32
    %cond3A_31 = arith.cmpi ne, %convert_element_type3A_29, %cond3A_30 : i32
    scf.if %cond3A_31 {
      %mul3A = arith.constant 1000 : i32
      %mul3A_32 = arith.muli %arg1, %mul3A : i32
      %mul3A_33 = arith.constant 1000 : i32
      %mul3A_34 = arith.muli %arg1, %mul3A_33 : i32
      "tpu.region"() ({
        %run_scoped3A = tpu.sem_alloc : memref<!tpu.dma_semaphore, #tpu.memory_space<semaphore_mem>>
        %dma_start3A = arith.constant 0 : i32
        %dma_start3A_35 = tpu.memref_slice %arg8[%mul3A_34, %dma_start3A] : memref<10000x128xf32, #tpu.memory_space<hbm>> -> memref<1000x128xf32, #tpu.memory_space<hbm>>
        %dma_start3A_36 = arith.constant 0 : i32
        %dma_start3A_37 = tpu.memref_slice %arg12[%mul3A_32, %dma_start3A_36] : memref<10008x128xf32, #tpu.memory_space<vmem_shared>> -> memref<1000x128xf32, #tpu.memory_space<vmem_shared>>
        tpu.enqueue_dma source(%dma_start3A_37 : memref<1000x128xf32, #tpu.memory_space<vmem_shared>>) target(%dma_start3A_35 : memref<1000x128xf32, #tpu.memory_space<hbm>>) target_semaphore(%run_scoped3A : memref<!tpu.dma_semaphore, #tpu.memory_space<semaphore_mem>>)
        %dma_wait3A = arith.constant 0 : i32
        %dma_wait3A_38 = tpu.memref_slice %arg8[%mul3A_34, %dma_wait3A] : memref<10000x128xf32, #tpu.memory_space<hbm>> -> memref<1000x128xf32, #tpu.memory_space<hbm>>
        %dma_wait3A_39 = arith.constant 0 : i32
        %dma_wait3A_40 = tpu.memref_slice %arg12[%mul3A_32, %dma_wait3A_39] : memref<10008x128xf32, #tpu.memory_space<vmem_shared>> -> memref<1000x128xf32, #tpu.memory_space<vmem_shared>>
        tpu.wait_dma2 semaphore(%run_scoped3A : memref<!tpu.dma_semaphore, #tpu.memory_space<semaphore_mem>>) src(%dma_wait3A_40 : memref<1000x128xf32, #tpu.memory_space<vmem_shared>>) dst(%dma_wait3A_38 : memref<1000x128xf32, #tpu.memory_space<hbm>>)
        tpu.yield
      }) : () -> ()
    } else {
    }
    return
  }
}

#map = affine_map<(d0, d1) -> (0, 0)>
#map1 = affine_map<(d0, d1) -> (0, 0, 0)>
module attributes {stable_mosaic.version = 14 : i64} {
  func.func @_sc_agg_body(%arg0: i32, %arg1: i32, %arg2: memref<80000x128xf32, #tpu.memory_space<hbm>>, %arg3: memref<80000x128xf32, #tpu.memory_space<hbm>>, %arg4: memref<16x79x128xi32, #tpu.memory_space<hbm>>, %arg5: memref<16x79x128xi32, #tpu.memory_space<hbm>>, %arg6: memref<1000x128xf32, #tpu.memory_space<hbm>>, %arg7: memref<10000x128xf32, #tpu.memory_space<hbm>>, %arg8: memref<10000x128xf32, #tpu.memory_space<hbm>>, %arg9: memref<79x128xi32, #tpu.memory_space<vmem>>, %arg10: memref<79x128xi32, #tpu.memory_space<vmem>>, %arg11: memref<128x128xf32, #tpu.memory_space<vmem>>, %arg12: memref<10008x128xf32, #tpu.memory_space<vmem_shared>>, %arg13: memref<!tpu.dma_semaphore, #tpu.memory_space<semaphore_mem>>) attributes {dimension_semantics = [#tpu.dimension_semantics<core_parallel>, #tpu.dimension_semantics<subcore_parallel>], iteration_bounds = array<i64: 2, 16>, scalar_prefetch = 0 : i64, scratch_operands = 5 : i64, tpu.core_type = #tpu.core_type<sc_vector_subcore>, window_params = [{transform_indices = #map}, {transform_indices = #map}, {transform_indices = #map1}, {transform_indices = #map1}, {transform_indices = #map}, {transform_indices = #map}, {transform_indices = #map}]} {
    %lt3A = arith.constant 10 : i32
    %lt3A_0 = arith.cmpi slt, %arg1, %lt3A : i32
    %convert_element_type3A = arith.extui %lt3A_0 : i1 to i32
    %cond3A = arith.constant 0 : i32
    %cond3A_1 = arith.cmpi ne, %convert_element_type3A, %cond3A : i32
    scf.if %cond3A_1 {
      %mul3A = arith.constant 1000 : i32
      %mul3A_32 = arith.muli %arg1, %mul3A : i32
      "tpu.region"() ({
        %run_scoped3A = tpu.sem_alloc : memref<!tpu.dma_semaphore, #tpu.memory_space<semaphore_mem>>
        %dma_start3A = arith.constant 0 : i32
        %dma_start3A_33 = tpu.memref_slice %arg12[%mul3A_32, %dma_start3A] : memref<10008x128xf32, #tpu.memory_space<vmem_shared>> -> memref<1000x128xf32, #tpu.memory_space<vmem_shared>>
        tpu.enqueue_dma source(%arg6 : memref<1000x128xf32, #tpu.memory_space<hbm>>) target(%dma_start3A_33 : memref<1000x128xf32, #tpu.memory_space<vmem_shared>>) target_semaphore(%run_scoped3A : memref<!tpu.dma_semaphore, #tpu.memory_space<semaphore_mem>>)
        %dma_wait3A = arith.constant 0 : i32
        %dma_wait3A_34 = tpu.memref_slice %arg12[%mul3A_32, %dma_wait3A] : memref<10008x128xf32, #tpu.memory_space<vmem_shared>> -> memref<1000x128xf32, #tpu.memory_space<vmem_shared>>
        tpu.wait_dma2 semaphore(%run_scoped3A : memref<!tpu.dma_semaphore, #tpu.memory_space<semaphore_mem>>) src(%arg6 : memref<1000x128xf32, #tpu.memory_space<hbm>>) dst(%dma_wait3A_34 : memref<1000x128xf32, #tpu.memory_space<vmem_shared>>)
        tpu.yield
      }) : () -> ()
    } else {
    }
    %eq3A = arith.constant 10 : i32
    %eq3A_2 = arith.cmpi eq, %arg1, %eq3A : i32
    %convert_element_type3A_3 = arith.extui %eq3A_2 : i1 to i32
    %cond3A_4 = arith.constant 0 : i32
    %cond3A_5 = arith.cmpi ne, %convert_element_type3A_3, %cond3A_4 : i32
    scf.if %cond3A_5 {
      "tpu.region"() ({
        %run_scoped3A = tpu.sem_alloc : memref<!tpu.dma_semaphore, #tpu.memory_space<semaphore_mem>>
        %dma_start3A = arith.constant 10000 : i32
        %dma_start3A_32 = arith.constant 0 : i32
        %dma_start3A_33 = tpu.memref_slice %arg12[%dma_start3A, %dma_start3A_32] : memref<10008x128xf32, #tpu.memory_space<vmem_shared>> -> memref<8x128xf32, #tpu.memory_space<vmem_shared>>
        %dma_start3A_34 = arith.constant 0 : i32
        %dma_start3A_35 = arith.constant 0 : i32
        %dma_start3A_36 = tpu.memref_slice %arg6[%dma_start3A_34, %dma_start3A_35] : memref<1000x128xf32, #tpu.memory_space<hbm>> -> memref<8x128xf32, #tpu.memory_space<hbm>>
        tpu.enqueue_dma source(%dma_start3A_36 : memref<8x128xf32, #tpu.memory_space<hbm>>) target(%dma_start3A_33 : memref<8x128xf32, #tpu.memory_space<vmem_shared>>) target_semaphore(%run_scoped3A : memref<!tpu.dma_semaphore, #tpu.memory_space<semaphore_mem>>)
        %dma_wait3A = arith.constant 10000 : i32
        %dma_wait3A_37 = arith.constant 0 : i32
        %dma_wait3A_38 = tpu.memref_slice %arg12[%dma_wait3A, %dma_wait3A_37] : memref<10008x128xf32, #tpu.memory_space<vmem_shared>> -> memref<8x128xf32, #tpu.memory_space<vmem_shared>>
        %dma_wait3A_39 = arith.constant 0 : i32
        %dma_wait3A_40 = arith.constant 0 : i32
        %dma_wait3A_41 = tpu.memref_slice %arg6[%dma_wait3A_39, %dma_wait3A_40] : memref<1000x128xf32, #tpu.memory_space<hbm>> -> memref<8x128xf32, #tpu.memory_space<hbm>>
        tpu.wait_dma2 semaphore(%run_scoped3A : memref<!tpu.dma_semaphore, #tpu.memory_space<semaphore_mem>>) src(%dma_wait3A_41 : memref<8x128xf32, #tpu.memory_space<hbm>>) dst(%dma_wait3A_38 : memref<8x128xf32, #tpu.memory_space<vmem_shared>>)
        tpu.yield
      }) : () -> ()
    } else {
    }
    "tpu.region"() ({
      %run_scoped3A = tpu.sem_alloc : memref<!tpu.dma_semaphore, #tpu.memory_space<semaphore_mem>>
      %dma_start3A = arith.constant 0 : i32
      %dma_start3A_32 = arith.constant 0 : i32
      %dma_start3A_33 = tpu.memref_slice %arg4[%arg1, %dma_start3A, %dma_start3A_32] : memref<16x79x128xi32, #tpu.memory_space<hbm>> -> memref<1x79x128xi32, #tpu.memory_space<hbm>>
      %dma_start3A_34 = tpu.memref_squeeze %dma_start3A_33 : memref<1x79x128xi32, #tpu.memory_space<hbm>> -> memref<79x128xi32, #tpu.memory_space<hbm>>
      %dma_start3A_35 = arith.constant 0 : i32
      %dma_start3A_36 = arith.constant 0 : i32
      %dma_start3A_37 = tpu.memref_slice %arg4[%arg1, %dma_start3A_35, %dma_start3A_36] : memref<16x79x128xi32, #tpu.memory_space<hbm>> -> memref<1x79x128xi32, #tpu.memory_space<hbm>>
      %dma_start3A_38 = tpu.memref_squeeze %dma_start3A_37 : memref<1x79x128xi32, #tpu.memory_space<hbm>> -> memref<79x128xi32, #tpu.memory_space<hbm>>
      tpu.enqueue_dma source(%dma_start3A_38 : memref<79x128xi32, #tpu.memory_space<hbm>>) target(%arg9 : memref<79x128xi32, #tpu.memory_space<vmem>>) target_semaphore(%run_scoped3A : memref<!tpu.dma_semaphore, #tpu.memory_space<semaphore_mem>>)
      %dma_wait3A = arith.constant 0 : i32
      %dma_wait3A_39 = arith.constant 0 : i32
      %dma_wait3A_40 = tpu.memref_slice %arg4[%arg1, %dma_wait3A, %dma_wait3A_39] : memref<16x79x128xi32, #tpu.memory_space<hbm>> -> memref<1x79x128xi32, #tpu.memory_space<hbm>>
      %dma_wait3A_41 = tpu.memref_squeeze %dma_wait3A_40 : memref<1x79x128xi32, #tpu.memory_space<hbm>> -> memref<79x128xi32, #tpu.memory_space<hbm>>
      %dma_wait3A_42 = arith.constant 0 : i32
      %dma_wait3A_43 = arith.constant 0 : i32
      %dma_wait3A_44 = tpu.memref_slice %arg4[%arg1, %dma_wait3A_42, %dma_wait3A_43] : memref<16x79x128xi32, #tpu.memory_space<hbm>> -> memref<1x79x128xi32, #tpu.memory_space<hbm>>
      %dma_wait3A_45 = tpu.memref_squeeze %dma_wait3A_44 : memref<1x79x128xi32, #tpu.memory_space<hbm>> -> memref<79x128xi32, #tpu.memory_space<hbm>>
      tpu.wait_dma2 semaphore(%run_scoped3A : memref<!tpu.dma_semaphore, #tpu.memory_space<semaphore_mem>>) src(%dma_wait3A_45 : memref<79x128xi32, #tpu.memory_space<hbm>>) dst(%arg9 : memref<79x128xi32, #tpu.memory_space<vmem>>)
      tpu.yield
    }) : () -> ()
    "tpu.region"() ({
      %run_scoped3A = tpu.sem_alloc : memref<!tpu.dma_semaphore, #tpu.memory_space<semaphore_mem>>
      %dma_start3A = arith.constant 0 : i32
      %dma_start3A_32 = arith.constant 0 : i32
      %dma_start3A_33 = tpu.memref_slice %arg5[%arg1, %dma_start3A, %dma_start3A_32] : memref<16x79x128xi32, #tpu.memory_space<hbm>> -> memref<1x79x128xi32, #tpu.memory_space<hbm>>
      %dma_start3A_34 = tpu.memref_squeeze %dma_start3A_33 : memref<1x79x128xi32, #tpu.memory_space<hbm>> -> memref<79x128xi32, #tpu.memory_space<hbm>>
      %dma_start3A_35 = arith.constant 0 : i32
      %dma_start3A_36 = arith.constant 0 : i32
      %dma_start3A_37 = tpu.memref_slice %arg5[%arg1, %dma_start3A_35, %dma_start3A_36] : memref<16x79x128xi32, #tpu.memory_space<hbm>> -> memref<1x79x128xi32, #tpu.memory_space<hbm>>
      %dma_start3A_38 = tpu.memref_squeeze %dma_start3A_37 : memref<1x79x128xi32, #tpu.memory_space<hbm>> -> memref<79x128xi32, #tpu.memory_space<hbm>>
      tpu.enqueue_dma source(%dma_start3A_38 : memref<79x128xi32, #tpu.memory_space<hbm>>) target(%arg10 : memref<79x128xi32, #tpu.memory_space<vmem>>) target_semaphore(%run_scoped3A : memref<!tpu.dma_semaphore, #tpu.memory_space<semaphore_mem>>)
      %dma_wait3A = arith.constant 0 : i32
      %dma_wait3A_39 = arith.constant 0 : i32
      %dma_wait3A_40 = tpu.memref_slice %arg5[%arg1, %dma_wait3A, %dma_wait3A_39] : memref<16x79x128xi32, #tpu.memory_space<hbm>> -> memref<1x79x128xi32, #tpu.memory_space<hbm>>
      %dma_wait3A_41 = tpu.memref_squeeze %dma_wait3A_40 : memref<1x79x128xi32, #tpu.memory_space<hbm>> -> memref<79x128xi32, #tpu.memory_space<hbm>>
      %dma_wait3A_42 = arith.constant 0 : i32
      %dma_wait3A_43 = arith.constant 0 : i32
      %dma_wait3A_44 = tpu.memref_slice %arg5[%arg1, %dma_wait3A_42, %dma_wait3A_43] : memref<16x79x128xi32, #tpu.memory_space<hbm>> -> memref<1x79x128xi32, #tpu.memory_space<hbm>>
      %dma_wait3A_45 = tpu.memref_squeeze %dma_wait3A_44 : memref<1x79x128xi32, #tpu.memory_space<hbm>> -> memref<79x128xi32, #tpu.memory_space<hbm>>
      tpu.wait_dma2 semaphore(%run_scoped3A : memref<!tpu.dma_semaphore, #tpu.memory_space<semaphore_mem>>) src(%dma_wait3A_45 : memref<79x128xi32, #tpu.memory_space<hbm>>) dst(%arg10 : memref<79x128xi32, #tpu.memory_space<vmem>>)
      tpu.yield
    }) : () -> ()
    %barrier3A = arith.constant 0 : index
    tpu.barrier barrier_id(%barrier3A)
    %eq3A_6 = arith.constant 0 : i32
    %eq3A_7 = arith.cmpi eq, %arg0, %eq3A_6 : i32
    %convert_element_type3A_8 = arith.extui %eq3A_7 : i1 to i32
    %cond3A_9 = arith.constant 0 : i32
    %cond3A_10 = arith.cmpi ne, %convert_element_type3A_8, %cond3A_9 : i32
    scf.if %cond3A_10 {
      %scan3A = arith.constant 0 : i32
      %scan3A_32 = arith.constant 79 : i32
      %scan3A_33 = arith.addi %scan3A, %scan3A_32 : i32
      %scan3A_34 = arith.constant 1 : i32
      scf.for %scan3A_36 = %scan3A to %scan3A_33 step %scan3A_34  : i32 {
        %mul3A = arith.constant 1 : i32
        %mul3A_37 = arith.muli %scan3A_36, %mul3A : i32
        %add3A = arith.constant 0 : i32
        %add3A_38 = arith.addi %add3A, %mul3A_37 : i32
        %dma_start3A = arith.constant 0 : i32
        %dma_start3A_39 = tpu.memref_slice %arg9[%add3A_38, %dma_start3A] : memref<79x128xi32, #tpu.memory_space<vmem>> -> memref<1x128xi32, #tpu.memory_space<vmem>>
        %dma_start3A_40 = tpu.memref_squeeze %dma_start3A_39 : memref<1x128xi32, #tpu.memory_space<vmem>> -> memref<128xi32, #tpu.memory_space<vmem>>
        %dma_start3A_41 = arith.constant 0 : i32
        %dma_start3A_42 = arith.constant 0 : i32
        %dma_start3A_43 = tpu.memref_slice %arg2[%dma_start3A_41, %dma_start3A_42] : memref<80000x128xf32, #tpu.memory_space<hbm>> -> memref<80000x128xf32, #tpu.memory_space<hbm>>
        tpu.enqueue_indirect_dma source(%dma_start3A_43 : memref<80000x128xf32, #tpu.memory_space<hbm>>) target(%arg11 : memref<128x128xf32, #tpu.memory_space<vmem>>) offsets(%dma_start3A_40 : memref<128xi32, #tpu.memory_space<vmem>>) semaphore(%arg13 : memref<!tpu.dma_semaphore, #tpu.memory_space<semaphore_mem>>)
        %dma_wait3A = arith.constant 0 : i32
        %dma_wait3A_44 = tpu.memref_slice %arg9[%add3A_38, %dma_wait3A] : memref<79x128xi32, #tpu.memory_space<vmem>> -> memref<1x128xi32, #tpu.memory_space<vmem>>
        %dma_wait3A_45 = tpu.memref_squeeze %dma_wait3A_44 : memref<1x128xi32, #tpu.memory_space<vmem>> -> memref<128xi32, #tpu.memory_space<vmem>>
        %dma_wait3A_46 = arith.constant 0 : i32
        %dma_wait3A_47 = arith.constant 0 : i32
        %dma_wait3A_48 = tpu.memref_slice %arg2[%dma_wait3A_46, %dma_wait3A_47] : memref<80000x128xf32, #tpu.memory_space<hbm>> -> memref<80000x128xf32, #tpu.memory_space<hbm>>
        tpu.wait_indirect_dma semaphore(%arg13 : memref<!tpu.dma_semaphore, #tpu.memory_space<semaphore_mem>>) src(%dma_wait3A_48 : memref<80000x128xf32, #tpu.memory_space<hbm>>) dst(%arg11 : memref<128x128xf32, #tpu.memory_space<vmem>>)
        "tpu.region"() ({
          %run_scoped3A = tpu.sem_alloc : memref<!tpu.dma_semaphore, #tpu.memory_space<semaphore_mem>>
          %dma_start3A_49 = arith.constant 0 : i32
          %dma_start3A_50 = tpu.memref_slice %arg10[%add3A_38, %dma_start3A_49] : memref<79x128xi32, #tpu.memory_space<vmem>> -> memref<1x128xi32, #tpu.memory_space<vmem>>
          %dma_start3A_51 = tpu.memref_squeeze %dma_start3A_50 : memref<1x128xi32, #tpu.memory_space<vmem>> -> memref<128xi32, #tpu.memory_space<vmem>>
          %dma_start3A_52 = arith.constant 0 : i32
          %dma_start3A_53 = arith.constant 0 : i32
          %dma_start3A_54 = tpu.memref_slice %arg12[%dma_start3A_52, %dma_start3A_53] : memref<10008x128xf32, #tpu.memory_space<vmem_shared>> -> memref<10008x128xf32, #tpu.memory_space<vmem_shared>>
          tpu.enqueue_indirect_dma source(%arg11 : memref<128x128xf32, #tpu.memory_space<vmem>>) target(%dma_start3A_54 : memref<10008x128xf32, #tpu.memory_space<vmem_shared>>) offsets(%dma_start3A_51 : memref<128xi32, #tpu.memory_space<vmem>>) semaphore(%run_scoped3A : memref<!tpu.dma_semaphore, #tpu.memory_space<semaphore_mem>>) {add = true}
          %dma_wait3A_55 = arith.constant 0 : i32
          %dma_wait3A_56 = tpu.memref_slice %arg10[%add3A_38, %dma_wait3A_55] : memref<79x128xi32, #tpu.memory_space<vmem>> -> memref<1x128xi32, #tpu.memory_space<vmem>>
          %dma_wait3A_57 = tpu.memref_squeeze %dma_wait3A_56 : memref<1x128xi32, #tpu.memory_space<vmem>> -> memref<128xi32, #tpu.memory_space<vmem>>
          %dma_wait3A_58 = arith.constant 0 : i32
          %dma_wait3A_59 = arith.constant 0 : i32
          %dma_wait3A_60 = tpu.memref_slice %arg12[%dma_wait3A_58, %dma_wait3A_59] : memref<10008x128xf32, #tpu.memory_space<vmem_shared>> -> memref<10008x128xf32, #tpu.memory_space<vmem_shared>>
          tpu.wait_indirect_dma semaphore(%run_scoped3A : memref<!tpu.dma_semaphore, #tpu.memory_space<semaphore_mem>>) src(%arg11 : memref<128x128xf32, #tpu.memory_space<vmem>>) dst(%dma_wait3A_60 : memref<10008x128xf32, #tpu.memory_space<vmem_shared>>)
          tpu.yield
        }) : () -> ()
      }
      %scan3A_35 = arith.constant 79 : i32
    } else {
    }
    %eq3A_11 = arith.constant 1 : i32
    %eq3A_12 = arith.cmpi eq, %arg0, %eq3A_11 : i32
    %convert_element_type3A_13 = arith.extui %eq3A_12 : i1 to i32
    %cond3A_14 = arith.constant 0 : i32
    %cond3A_15 = arith.cmpi ne, %convert_element_type3A_13, %cond3A_14 : i32
    scf.if %cond3A_15 {
      %scan3A = arith.constant 0 : i32
      %scan3A_32 = arith.constant 79 : i32
      %scan3A_33 = arith.addi %scan3A, %scan3A_32 : i32
      %scan3A_34 = arith.constant 1 : i32
      scf.for %scan3A_36 = %scan3A to %scan3A_33 step %scan3A_34  : i32 {
        %mul3A = arith.constant 1 : i32
        %mul3A_37 = arith.muli %scan3A_36, %mul3A : i32
        %add3A = arith.constant 0 : i32
        %add3A_38 = arith.addi %add3A, %mul3A_37 : i32
        %dma_start3A = arith.constant 0 : i32
        %dma_start3A_39 = tpu.memref_slice %arg9[%add3A_38, %dma_start3A] : memref<79x128xi32, #tpu.memory_space<vmem>> -> memref<1x128xi32, #tpu.memory_space<vmem>>
        %dma_start3A_40 = tpu.memref_squeeze %dma_start3A_39 : memref<1x128xi32, #tpu.memory_space<vmem>> -> memref<128xi32, #tpu.memory_space<vmem>>
        %dma_start3A_41 = arith.constant 0 : i32
        %dma_start3A_42 = arith.constant 0 : i32
        %dma_start3A_43 = tpu.memref_slice %arg3[%dma_start3A_41, %dma_start3A_42] : memref<80000x128xf32, #tpu.memory_space<hbm>> -> memref<80000x128xf32, #tpu.memory_space<hbm>>
        tpu.enqueue_indirect_dma source(%dma_start3A_43 : memref<80000x128xf32, #tpu.memory_space<hbm>>) target(%arg11 : memref<128x128xf32, #tpu.memory_space<vmem>>) offsets(%dma_start3A_40 : memref<128xi32, #tpu.memory_space<vmem>>) semaphore(%arg13 : memref<!tpu.dma_semaphore, #tpu.memory_space<semaphore_mem>>)
        %dma_wait3A = arith.constant 0 : i32
        %dma_wait3A_44 = tpu.memref_slice %arg9[%add3A_38, %dma_wait3A] : memref<79x128xi32, #tpu.memory_space<vmem>> -> memref<1x128xi32, #tpu.memory_space<vmem>>
        %dma_wait3A_45 = tpu.memref_squeeze %dma_wait3A_44 : memref<1x128xi32, #tpu.memory_space<vmem>> -> memref<128xi32, #tpu.memory_space<vmem>>
        %dma_wait3A_46 = arith.constant 0 : i32
        %dma_wait3A_47 = arith.constant 0 : i32
        %dma_wait3A_48 = tpu.memref_slice %arg3[%dma_wait3A_46, %dma_wait3A_47] : memref<80000x128xf32, #tpu.memory_space<hbm>> -> memref<80000x128xf32, #tpu.memory_space<hbm>>
        tpu.wait_indirect_dma semaphore(%arg13 : memref<!tpu.dma_semaphore, #tpu.memory_space<semaphore_mem>>) src(%dma_wait3A_48 : memref<80000x128xf32, #tpu.memory_space<hbm>>) dst(%arg11 : memref<128x128xf32, #tpu.memory_space<vmem>>)
        "tpu.region"() ({
          %run_scoped3A = tpu.sem_alloc : memref<!tpu.dma_semaphore, #tpu.memory_space<semaphore_mem>>
          %dma_start3A_49 = arith.constant 0 : i32
          %dma_start3A_50 = tpu.memref_slice %arg10[%add3A_38, %dma_start3A_49] : memref<79x128xi32, #tpu.memory_space<vmem>> -> memref<1x128xi32, #tpu.memory_space<vmem>>
          %dma_start3A_51 = tpu.memref_squeeze %dma_start3A_50 : memref<1x128xi32, #tpu.memory_space<vmem>> -> memref<128xi32, #tpu.memory_space<vmem>>
          %dma_start3A_52 = arith.constant 0 : i32
          %dma_start3A_53 = arith.constant 0 : i32
          %dma_start3A_54 = tpu.memref_slice %arg12[%dma_start3A_52, %dma_start3A_53] : memref<10008x128xf32, #tpu.memory_space<vmem_shared>> -> memref<10008x128xf32, #tpu.memory_space<vmem_shared>>
          tpu.enqueue_indirect_dma source(%arg11 : memref<128x128xf32, #tpu.memory_space<vmem>>) target(%dma_start3A_54 : memref<10008x128xf32, #tpu.memory_space<vmem_shared>>) offsets(%dma_start3A_51 : memref<128xi32, #tpu.memory_space<vmem>>) semaphore(%run_scoped3A : memref<!tpu.dma_semaphore, #tpu.memory_space<semaphore_mem>>) {add = true}
          %dma_wait3A_55 = arith.constant 0 : i32
          %dma_wait3A_56 = tpu.memref_slice %arg10[%add3A_38, %dma_wait3A_55] : memref<79x128xi32, #tpu.memory_space<vmem>> -> memref<1x128xi32, #tpu.memory_space<vmem>>
          %dma_wait3A_57 = tpu.memref_squeeze %dma_wait3A_56 : memref<1x128xi32, #tpu.memory_space<vmem>> -> memref<128xi32, #tpu.memory_space<vmem>>
          %dma_wait3A_58 = arith.constant 0 : i32
          %dma_wait3A_59 = arith.constant 0 : i32
          %dma_wait3A_60 = tpu.memref_slice %arg12[%dma_wait3A_58, %dma_wait3A_59] : memref<10008x128xf32, #tpu.memory_space<vmem_shared>> -> memref<10008x128xf32, #tpu.memory_space<vmem_shared>>
          tpu.wait_indirect_dma semaphore(%run_scoped3A : memref<!tpu.dma_semaphore, #tpu.memory_space<semaphore_mem>>) src(%arg11 : memref<128x128xf32, #tpu.memory_space<vmem>>) dst(%dma_wait3A_60 : memref<10008x128xf32, #tpu.memory_space<vmem_shared>>)
          tpu.yield
        }) : () -> ()
      }
      %scan3A_35 = arith.constant 79 : i32
    } else {
    }
    %barrier3A_16 = arith.constant 0 : index
    tpu.barrier barrier_id(%barrier3A_16)
    %lt3A_17 = arith.constant 10 : i32
    %lt3A_18 = arith.cmpi slt, %arg1, %lt3A_17 : i32
    %eq3A_19 = arith.constant 0 : i32
    %eq3A_20 = arith.cmpi eq, %arg0, %eq3A_19 : i32
    %and3A = arith.andi %lt3A_18, %eq3A_20 : i1
    %convert_element_type3A_21 = arith.extui %and3A : i1 to i32
    %cond3A_22 = arith.constant 0 : i32
    %cond3A_23 = arith.cmpi ne, %convert_element_type3A_21, %cond3A_22 : i32
    scf.if %cond3A_23 {
      %mul3A = arith.constant 1000 : i32
      %mul3A_32 = arith.muli %arg1, %mul3A : i32
      %mul3A_33 = arith.constant 1000 : i32
      %mul3A_34 = arith.muli %arg1, %mul3A_33 : i32
      "tpu.region"() ({
        %run_scoped3A = tpu.sem_alloc : memref<!tpu.dma_semaphore, #tpu.memory_space<semaphore_mem>>
        %dma_start3A = arith.constant 0 : i32
        %dma_start3A_35 = tpu.memref_slice %arg7[%mul3A_34, %dma_start3A] : memref<10000x128xf32, #tpu.memory_space<hbm>> -> memref<1000x128xf32, #tpu.memory_space<hbm>>
        %dma_start3A_36 = arith.constant 0 : i32
        %dma_start3A_37 = tpu.memref_slice %arg12[%mul3A_32, %dma_start3A_36] : memref<10008x128xf32, #tpu.memory_space<vmem_shared>> -> memref<1000x128xf32, #tpu.memory_space<vmem_shared>>
        tpu.enqueue_dma source(%dma_start3A_37 : memref<1000x128xf32, #tpu.memory_space<vmem_shared>>) target(%dma_start3A_35 : memref<1000x128xf32, #tpu.memory_space<hbm>>) target_semaphore(%run_scoped3A : memref<!tpu.dma_semaphore, #tpu.memory_space<semaphore_mem>>)
        %dma_wait3A = arith.constant 0 : i32
        %dma_wait3A_38 = tpu.memref_slice %arg7[%mul3A_34, %dma_wait3A] : memref<10000x128xf32, #tpu.memory_space<hbm>> -> memref<1000x128xf32, #tpu.memory_space<hbm>>
        %dma_wait3A_39 = arith.constant 0 : i32
        %dma_wait3A_40 = tpu.memref_slice %arg12[%mul3A_32, %dma_wait3A_39] : memref<10008x128xf32, #tpu.memory_space<vmem_shared>> -> memref<1000x128xf32, #tpu.memory_space<vmem_shared>>
        tpu.wait_dma2 semaphore(%run_scoped3A : memref<!tpu.dma_semaphore, #tpu.memory_space<semaphore_mem>>) src(%dma_wait3A_40 : memref<1000x128xf32, #tpu.memory_space<vmem_shared>>) dst(%dma_wait3A_38 : memref<1000x128xf32, #tpu.memory_space<hbm>>)
        tpu.yield
      }) : () -> ()
    } else {
    }
    %lt3A_24 = arith.constant 10 : i32
    %lt3A_25 = arith.cmpi slt, %arg1, %lt3A_24 : i32
    %eq3A_26 = arith.constant 1 : i32
    %eq3A_27 = arith.cmpi eq, %arg0, %eq3A_26 : i32
    %and3A_28 = arith.andi %lt3A_25, %eq3A_27 : i1
    %convert_element_type3A_29 = arith.extui %and3A_28 : i1 to i32
    %cond3A_30 = arith.constant 0 : i32
    %cond3A_31 = arith.cmpi ne, %convert_element_type3A_29, %cond3A_30 : i32
    scf.if %cond3A_31 {
      %mul3A = arith.constant 1000 : i32
      %mul3A_32 = arith.muli %arg1, %mul3A : i32
      %mul3A_33 = arith.constant 1000 : i32
      %mul3A_34 = arith.muli %arg1, %mul3A_33 : i32
      "tpu.region"() ({
        %run_scoped3A = tpu.sem_alloc : memref<!tpu.dma_semaphore, #tpu.memory_space<semaphore_mem>>
        %dma_start3A = arith.constant 0 : i32
        %dma_start3A_35 = tpu.memref_slice %arg8[%mul3A_34, %dma_start3A] : memref<10000x128xf32, #tpu.memory_space<hbm>> -> memref<1000x128xf32, #tpu.memory_space<hbm>>
        %dma_start3A_36 = arith.constant 0 : i32
        %dma_start3A_37 = tpu.memref_slice %arg12[%mul3A_32, %dma_start3A_36] : memref<10008x128xf32, #tpu.memory_space<vmem_shared>> -> memref<1000x128xf32, #tpu.memory_space<vmem_shared>>
        tpu.enqueue_dma source(%dma_start3A_37 : memref<1000x128xf32, #tpu.memory_space<vmem_shared>>) target(%dma_start3A_35 : memref<1000x128xf32, #tpu.memory_space<hbm>>) target_semaphore(%run_scoped3A : memref<!tpu.dma_semaphore, #tpu.memory_space<semaphore_mem>>)
        %dma_wait3A = arith.constant 0 : i32
        %dma_wait3A_38 = tpu.memref_slice %arg8[%mul3A_34, %dma_wait3A] : memref<10000x128xf32, #tpu.memory_space<hbm>> -> memref<1000x128xf32, #tpu.memory_space<hbm>>
        %dma_wait3A_39 = arith.constant 0 : i32
        %dma_wait3A_40 = tpu.memref_slice %arg12[%mul3A_32, %dma_wait3A_39] : memref<10008x128xf32, #tpu.memory_space<vmem_shared>> -> memref<1000x128xf32, #tpu.memory_space<vmem_shared>>
        tpu.wait_dma2 semaphore(%run_scoped3A : memref<!tpu.dma_semaphore, #tpu.memory_space<semaphore_mem>>) src(%dma_wait3A_40 : memref<1000x128xf32, #tpu.memory_space<vmem_shared>>) dst(%dma_wait3A_38 : memref<1000x128xf32, #tpu.memory_space<hbm>>)
        tpu.yield
      }) : () -> ()
    } else {
    }
    return
  }
}

module attributes {stable_mosaic.version = 14 : i64} {
  func.func @_front1_body(%arg0: i32, %arg1: i32, %arg2: memref<5000x256xf32, #tpu.memory_space<vmem>>, %arg3: memref<256x256xf32, #tpu.memory_space<vmem>>, %arg4: memref<1x256xf32, #tpu.memory_space<vmem>>, %arg5: memref<8x8xf32, #tpu.memory_space<vmem>>, %arg6: memref<8x65536xf32, #tpu.memory_space<vmem>>, %arg7: memref<8x8xf32, #tpu.memory_space<vmem>>, %arg8: memref<8x65536xf32, #tpu.memory_space<vmem>>, %arg9: memref<1264x128xi32, #tpu.memory_space<vmem>>, %arg10: memref<1264x128xi32, #tpu.memory_space<vmem>>, %arg11: memref<5000x128xf32, #tpu.memory_space<vmem>>, %arg12: memref<5000x128xf32, #tpu.memory_space<vmem>>, %arg13: memref<5000x256xf32, #tpu.memory_space<vmem>>, %arg14: memref<1264x128xi32, #tpu.memory_space<vmem>>, %arg15: memref<8x65536xf32, #tpu.memory_space<vmem>>, %arg16: memref<8x256x256xbf16, #tpu.memory_space<vmem>>) attributes {dimension_semantics = [#tpu.dimension_semantics<arbitrary>, #tpu.dimension_semantics<arbitrary>], iteration_bounds = array<i64: 2, 8>, scalar_prefetch = 0 : i64, scratch_operands = 1 : i64, tpu.core_type = #tpu.core_type<tc>, window_params = [{transform_indices = @transform_0, window_bounds = array<i64: 5000, 256>}, {pipeline_mode = #tpu.pipeline_mode<synchronous>, transform_indices = @transform_1, window_bounds = array<i64: 256, 256>}, {pipeline_mode = #tpu.pipeline_mode<synchronous>, transform_indices = @transform_2, window_bounds = array<i64: 1, 256>}, {pipeline_mode = #tpu.pipeline_mode<synchronous>, transform_indices = @transform_3, window_bounds = array<i64: 8, 8>}, {pipeline_mode = #tpu.pipeline_mode<synchronous>, transform_indices = @transform_4, window_bounds = array<i64: 8, 65536>}, {pipeline_mode = #tpu.pipeline_mode<synchronous>, transform_indices = @transform_5, window_bounds = array<i64: 8, 8>}, {pipeline_mode = #tpu.pipeline_mode<synchronous>, transform_indices = @transform_6, window_bounds = array<i64: 8, 65536>}, {pipeline_mode = #tpu.pipeline_mode<synchronous>, transform_indices = @transform_7, window_bounds = array<i64: 1264, 128>}, {pipeline_mode = #tpu.pipeline_mode<synchronous>, transform_indices = @transform_8, window_bounds = array<i64: 1264, 128>}, {transform_indices = @transform_9, window_bounds = array<i64: 5000, 128>}, {transform_indices = @transform_10, window_bounds = array<i64: 5000, 128>}, {transform_indices = @transform_11, window_bounds = array<i64: 5000, 256>}, {pipeline_mode = #tpu.pipeline_mode<synchronous>, transform_indices = @transform_12, window_bounds = array<i64: 1264, 128>}, {pipeline_mode = #tpu.pipeline_mode<synchronous>, transform_indices = @transform_13, window_bounds = array<i64: 8, 65536>}]} {
    %eq3A = arith.constant 0 : i32
    %eq3A_0 = arith.cmpi eq, %arg0, %eq3A : i32
    %eq3A_1 = arith.constant 0 : i32
    %eq3A_2 = arith.cmpi eq, %arg1, %eq3A_1 : i32
    %and3A = arith.andi %eq3A_0, %eq3A_2 : i1
    %convert_element_type3A = arith.extui %and3A : i1 to i32
    %cond3A = arith.constant 0 : i32
    %cond3A_3 = arith.cmpi ne, %convert_element_type3A, %cond3A : i32
    scf.if %cond3A_3 {
      %get3A_24 = arith.constant 0 : index
      %get3A_25 = arith.constant 0 : index
      %get3A_26 = vector.load %arg5[%get3A_24, %get3A_25] : memref<8x8xf32, #tpu.memory_space<vmem>>, vector<8x8xf32>
      %convert_element_type3A_27 = arith.truncf %get3A_26 : vector<8x8xf32> to vector<8x8xbf16>
      %get3A_28 = arith.constant 0 : index
      %get3A_29 = arith.constant 0 : index
      %get3A_30 = vector.load %arg6[%get3A_28, %get3A_29] : memref<8x65536xf32, #tpu.memory_space<vmem>>, vector<8x65536xf32>
      %convert_element_type3A_31 = arith.truncf %get3A_30 : vector<8x65536xf32> to vector<8x65536xbf16>
      %dot_general3A_32 = arith.constant dense<0.000000e+00> : vector<8x65536xf32>
      %dot_general3A_33 = tpu.matmul %convert_element_type3A_27, %convert_element_type3A_31, %dot_general3A_32 {dimension_numbers = #tpu.dot_dimension_numbers<[1], [0], [0], [1], [0, 0, 1, 1], [], []>, transpose_lhs_hint = false} : vector<8x8xbf16>, vector<8x65536xbf16>, vector<8x65536xf32> -> vector<8x65536xf32>
      %slice3A_34 = vector.extract_strided_slice %dot_general3A_33 {offsets = [0, 0], sizes = [1, 65536], strides = [1, 1]} : vector<8x65536xf32> to vector<1x65536xf32>
      %squeeze3A = vector.shape_cast %slice3A_34 : vector<1x65536xf32> to vector<65536xf32>
      %convert_element_type3A_35 = arith.truncf %squeeze3A : vector<65536xf32> to vector<65536xbf16>
      %reshape3A = vector.shape_cast %convert_element_type3A_35 : vector<65536xbf16> to vector<256x256xbf16>
      %swap3A_36 = arith.constant 0 : index
      %swap3A_37 = arith.constant 0 : index
      %swap3A_38 = arith.constant 0 : index
      %swap3A_39 = vector.load %arg16[%swap3A_36, %swap3A_37, %swap3A_38] : memref<8x256x256xbf16, #tpu.memory_space<vmem>>, vector<1x256x256xbf16>
      %swap3A_40 = vector.shape_cast %swap3A_39 : vector<1x256x256xbf16> to vector<256x256xbf16>
      %swap3A_41 = vector.shape_cast %reshape3A : vector<256x256xbf16> to vector<1x256x256xbf16>
      tpu.vector_store %arg16[%swap3A_36, %swap3A_37, %swap3A_38], %swap3A_41 {strides = array<i32>} : memref<8x256x256xbf16, #tpu.memory_space<vmem>>, vector<1x256x256xbf16>,
      %slice3A_42 = vector.extract_strided_slice %dot_general3A_33 {offsets = [1, 0], sizes = [1, 65536], strides = [1, 1]} : vector<8x65536xf32> to vector<1x65536xf32>
      %squeeze3A_43 = vector.shape_cast %slice3A_42 : vector<1x65536xf32> to vector<65536xf32>
      %convert_element_type3A_44 = arith.truncf %squeeze3A_43 : vector<65536xf32> to vector<65536xbf16>
      %reshape3A_45 = vector.shape_cast %convert_element_type3A_44 : vector<65536xbf16> to vector<256x256xbf16>
      %swap3A_46 = arith.constant 1 : index
      %swap3A_47 = arith.constant 0 : index
      %swap3A_48 = arith.constant 0 : index
      %swap3A_49 = vector.load %arg16[%swap3A_46, %swap3A_47, %swap3A_48] : memref<8x256x256xbf16, #tpu.memory_space<vmem>>, vector<1x256x256xbf16>
      %swap3A_50 = vector.shape_cast %swap3A_49 : vector<1x256x256xbf16> to vector<256x256xbf16>
      %swap3A_51 = vector.shape_cast %reshape3A_45 : vector<256x256xbf16> to vector<1x256x256xbf16>
      tpu.vector_store %arg16[%swap3A_46, %swap3A_47, %swap3A_48], %swap3A_51 {strides = array<i32>} : memref<8x256x256xbf16, #tpu.memory_space<vmem>>, vector<1x256x256xbf16>,
      %slice3A_52 = vector.extract_strided_slice %dot_general3A_33 {offsets = [2, 0], sizes = [1, 65536], strides = [1, 1]} : vector<8x65536xf32> to vector<1x65536xf32>
      %squeeze3A_53 = vector.shape_cast %slice3A_52 : vector<1x65536xf32> to vector<65536xf32>
      %convert_element_type3A_54 = arith.truncf %squeeze3A_53 : vector<65536xf32> to vector<65536xbf16>
      %reshape3A_55 = vector.shape_cast %convert_element_type3A_54 : vector<65536xbf16> to vector<256x256xbf16>
      %swap3A_56 = arith.constant 2 : index
      %swap3A_57 = arith.constant 0 : index
      %swap3A_58 = arith.constant 0 : index
      %swap3A_59 = vector.load %arg16[%swap3A_56, %swap3A_57, %swap3A_58] : memref<8x256x256xbf16, #tpu.memory_space<vmem>>, vector<1x256x256xbf16>
      %swap3A_60 = vector.shape_cast %swap3A_59 : vector<1x256x256xbf16> to vector<256x256xbf16>
      %swap3A_61 = vector.shape_cast %reshape3A_55 : vector<256x256xbf16> to vector<1x256x256xbf16>
      tpu.vector_store %arg16[%swap3A_56, %swap3A_57, %swap3A_58], %swap3A_61 {strides = array<i32>} : memref<8x256x256xbf16, #tpu.memory_space<vmem>>, vector<1x256x256xbf16>,
      %slice3A_62 = vector.extract_strided_slice %dot_general3A_33 {offsets = [3, 0], sizes = [1, 65536], strides = [1, 1]} : vector<8x65536xf32> to vector<1x65536xf32>
      %squeeze3A_63 = vector.shape_cast %slice3A_62 : vector<1x65536xf32> to vector<65536xf32>
      %convert_element_type3A_64 = arith.truncf %squeeze3A_63 : vector<65536xf32> to vector<65536xbf16>
      %reshape3A_65 = vector.shape_cast %convert_element_type3A_64 : vector<65536xbf16> to vector<256x256xbf16>
      %swap3A_66 = arith.constant 3 : index
      %swap3A_67 = arith.constant 0 : index
      %swap3A_68 = arith.constant 0 : index
      %swap3A_69 = vector.load %arg16[%swap3A_66, %swap3A_67, %swap3A_68] : memref<8x256x256xbf16, #tpu.memory_space<vmem>>, vector<1x256x256xbf16>
      %swap3A_70 = vector.shape_cast %swap3A_69 : vector<1x256x256xbf16> to vector<256x256xbf16>
      %swap3A_71 = vector.shape_cast %reshape3A_65 : vector<256x256xbf16> to vector<1x256x256xbf16>
      tpu.vector_store %arg16[%swap3A_66, %swap3A_67, %swap3A_68], %swap3A_71 {strides = array<i32>} : memref<8x256x256xbf16, #tpu.memory_space<vmem>>, vector<1x256x256xbf16>,
      %slice3A_72 = vector.extract_strided_slice %dot_general3A_33 {offsets = [4, 0], sizes = [1, 65536], strides = [1, 1]} : vector<8x65536xf32> to vector<1x65536xf32>
      %squeeze3A_73 = vector.shape_cast %slice3A_72 : vector<1x65536xf32> to vector<65536xf32>
      %convert_element_type3A_74 = arith.truncf %squeeze3A_73 : vector<65536xf32> to vector<65536xbf16>
      %reshape3A_75 = vector.shape_cast %convert_element_type3A_74 : vector<65536xbf16> to vector<256x256xbf16>
      %swap3A_76 = arith.constant 4 : index
      %swap3A_77 = arith.constant 0 : index
      %swap3A_78 = arith.constant 0 : index
      %swap3A_79 = vector.load %arg16[%swap3A_76, %swap3A_77, %swap3A_78] : memref<8x256x256xbf16, #tpu.memory_space<vmem>>, vector<1x256x256xbf16>
      %swap3A_80 = vector.shape_cast %swap3A_79 : vector<1x256x256xbf16> to vector<256x256xbf16>
      %swap3A_81 = vector.shape_cast %reshape3A_75 : vector<256x256xbf16> to vector<1x256x256xbf16>
      tpu.vector_store %arg16[%swap3A_76, %swap3A_77, %swap3A_78], %swap3A_81 {strides = array<i32>} : memref<8x256x256xbf16, #tpu.memory_space<vmem>>, vector<1x256x256xbf16>,
      %slice3A_82 = vector.extract_strided_slice %dot_general3A_33 {offsets = [5, 0], sizes = [1, 65536], strides = [1, 1]} : vector<8x65536xf32> to vector<1x65536xf32>
      %squeeze3A_83 = vector.shape_cast %slice3A_82 : vector<1x65536xf32> to vector<65536xf32>
      %convert_element_type3A_84 = arith.truncf %squeeze3A_83 : vector<65536xf32> to vector<65536xbf16>
      %reshape3A_85 = vector.shape_cast %convert_element_type3A_84 : vector<65536xbf16> to vector<256x256xbf16>
      %swap3A_86 = arith.constant 5 : index
      %swap3A_87 = arith.constant 0 : index
      %swap3A_88 = arith.constant 0 : index
      %swap3A_89 = vector.load %arg16[%swap3A_86, %swap3A_87, %swap3A_88] : memref<8x256x256xbf16, #tpu.memory_space<vmem>>, vector<1x256x256xbf16>
      %swap3A_90 = vector.shape_cast %swap3A_89 : vector<1x256x256xbf16> to vector<256x256xbf16>
      %swap3A_91 = vector.shape_cast %reshape3A_85 : vector<256x256xbf16> to vector<1x256x256xbf16>
      tpu.vector_store %arg16[%swap3A_86, %swap3A_87, %swap3A_88], %swap3A_91 {strides = array<i32>} : memref<8x256x256xbf16, #tpu.memory_space<vmem>>, vector<1x256x256xbf16>,
      %slice3A_92 = vector.extract_strided_slice %dot_general3A_33 {offsets = [6, 0], sizes = [1, 65536], strides = [1, 1]} : vector<8x65536xf32> to vector<1x65536xf32>
      %squeeze3A_93 = vector.shape_cast %slice3A_92 : vector<1x65536xf32> to vector<65536xf32>
      %convert_element_type3A_94 = arith.truncf %squeeze3A_93 : vector<65536xf32> to vector<65536xbf16>
      %reshape3A_95 = vector.shape_cast %convert_element_type3A_94 : vector<65536xbf16> to vector<256x256xbf16>
      %swap3A_96 = arith.constant 6 : index
      %swap3A_97 = arith.constant 0 : index
      %swap3A_98 = arith.constant 0 : index
      %swap3A_99 = vector.load %arg16[%swap3A_96, %swap3A_97, %swap3A_98] : memref<8x256x256xbf16, #tpu.memory_space<vmem>>, vector<1x256x256xbf16>
      %swap3A_100 = vector.shape_cast %swap3A_99 : vector<1x256x256xbf16> to vector<256x256xbf16>
      %swap3A_101 = vector.shape_cast %reshape3A_95 : vector<256x256xbf16> to vector<1x256x256xbf16>
      tpu.vector_store %arg16[%swap3A_96, %swap3A_97, %swap3A_98], %swap3A_101 {strides = array<i32>} : memref<8x256x256xbf16, #tpu.memory_space<vmem>>, vector<1x256x256xbf16>,
      %slice3A_102 = vector.extract_strided_slice %dot_general3A_33 {offsets = [7, 0], sizes = [1, 65536], strides = [1, 1]} : vector<8x65536xf32> to vector<1x65536xf32>
      %squeeze3A_103 = vector.shape_cast %slice3A_102 : vector<1x65536xf32> to vector<65536xf32>
      %convert_element_type3A_104 = arith.truncf %squeeze3A_103 : vector<65536xf32> to vector<65536xbf16>
      %reshape3A_105 = vector.shape_cast %convert_element_type3A_104 : vector<65536xbf16> to vector<256x256xbf16>
      %swap3A_106 = arith.constant 7 : index
      %swap3A_107 = arith.constant 0 : index
      %swap3A_108 = arith.constant 0 : index
      %swap3A_109 = vector.load %arg16[%swap3A_106, %swap3A_107, %swap3A_108] : memref<8x256x256xbf16, #tpu.memory_space<vmem>>, vector<1x256x256xbf16>
      %swap3A_110 = vector.shape_cast %swap3A_109 : vector<1x256x256xbf16> to vector<256x256xbf16>
      %swap3A_111 = vector.shape_cast %reshape3A_105 : vector<256x256xbf16> to vector<1x256x256xbf16>
      tpu.vector_store %arg16[%swap3A_106, %swap3A_107, %swap3A_108], %swap3A_111 {strides = array<i32>} : memref<8x256x256xbf16, #tpu.memory_space<vmem>>, vector<1x256x256xbf16>,
      %get3A_112 = arith.constant 0 : index
      %get3A_113 = arith.constant 0 : index
      %get3A_114 = vector.load %arg7[%get3A_112, %get3A_113] : memref<8x8xf32, #tpu.memory_space<vmem>>, vector<8x8xf32>
      %convert_element_type3A_115 = arith.truncf %get3A_114 : vector<8x8xf32> to vector<8x8xbf16>
      %get3A_116 = arith.constant 0 : index
      %get3A_117 = arith.constant 0 : index
      %get3A_118 = vector.load %arg8[%get3A_116, %get3A_117] : memref<8x65536xf32, #tpu.memory_space<vmem>>, vector<8x65536xf32>
      %convert_element_type3A_119 = arith.truncf %get3A_118 : vector<8x65536xf32> to vector<8x65536xbf16>
      %dot_general3A_120 = arith.constant dense<0.000000e+00> : vector<8x65536xf32>
      %dot_general3A_121 = tpu.matmul %convert_element_type3A_115, %convert_element_type3A_119, %dot_general3A_120 {dimension_numbers = #tpu.dot_dimension_numbers<[1], [0], [0], [1], [0, 0, 1, 1], [], []>, transpose_lhs_hint = false} : vector<8x8xbf16>, vector<8x65536xbf16>, vector<8x65536xf32> -> vector<8x65536xf32>
      %swap3A_122 = arith.constant 0 : index
      %swap3A_123 = arith.constant 0 : index
      %swap3A_124 = vector.load %arg15[%swap3A_122, %swap3A_123] : memref<8x65536xf32, #tpu.memory_space<vmem>>, vector<8x65536xf32>
      tpu.vector_store %arg15[%swap3A_122, %swap3A_123], %dot_general3A_121 {strides = array<i32>} : memref<8x65536xf32, #tpu.memory_space<vmem>>, vector<8x65536xf32>,
      %get3A_125 = arith.constant 0 : index
      %get3A_126 = arith.constant 0 : index
      %get3A_127 = vector.load %arg10[%get3A_125, %get3A_126] : memref<1264x128xi32, #tpu.memory_space<vmem>>, vector<1264x128xi32>
      %mul3A = arith.constant 10000 : i32
      %mul3A_128 = vector.broadcast %mul3A : i32 to vector<1264x128xi32>
      %mul3A_129 = arith.muli %get3A_127, %mul3A_128 : vector<1264x128xi32>
      %get3A_130 = arith.constant 0 : index
      %get3A_131 = arith.constant 0 : index
      %get3A_132 = vector.load %arg9[%get3A_130, %get3A_131] : memref<1264x128xi32, #tpu.memory_space<vmem>>, vector<1264x128xi32>
      %add3A = arith.addi %mul3A_129, %get3A_132 : vector<1264x128xi32>
      %swap3A_133 = arith.constant 0 : index
      %swap3A_134 = arith.constant 0 : index
      %swap3A_135 = vector.load %arg14[%swap3A_133, %swap3A_134] : memref<1264x128xi32, #tpu.memory_space<vmem>>, vector<1264x128xi32>
      tpu.vector_store %arg14[%swap3A_133, %swap3A_134], %add3A {strides = array<i32>} : memref<1264x128xi32, #tpu.memory_space<vmem>>, vector<1264x128xi32>,
    } else {
    }
    %eq3A_4 = arith.constant 0 : i32
    %eq3A_5 = arith.cmpi eq, %arg1, %eq3A_4 : i32
    %convert_element_type3A_6 = arith.extui %eq3A_5 : i1 to i32
    %cond3A_7 = arith.constant 0 : i32
    %cond3A_8 = arith.cmpi ne, %convert_element_type3A_6, %cond3A_7 : i32
    scf.if %cond3A_8 {
      %get3A_24 = arith.constant 0 : index
      %get3A_25 = arith.constant 0 : index
      %get3A_26 = vector.load %arg2[%get3A_24, %get3A_25] : memref<5000x256xf32, #tpu.memory_space<vmem>>, vector<5000x256xf32>
      %convert_element_type3A_27 = arith.truncf %get3A_26 : vector<5000x256xf32> to vector<5000x256xbf16>
      %get3A_28 = arith.constant 0 : index
      %get3A_29 = arith.constant 0 : index
      %get3A_30 = vector.load %arg3[%get3A_28, %get3A_29] : memref<256x256xf32, #tpu.memory_space<vmem>>, vector<256x256xf32>
      %convert_element_type3A_31 = arith.truncf %get3A_30 : vector<256x256xf32> to vector<256x256xbf16>
      %dot_general3A_32 = arith.constant dense<0.000000e+00> : vector<5000x256xf32>
      %dot_general3A_33 = tpu.matmul %convert_element_type3A_27, %convert_element_type3A_31, %dot_general3A_32 {dimension_numbers = #tpu.dot_dimension_numbers<[1], [0], [0], [1], [0, 0, 1, 1], [], []>, transpose_lhs_hint = false} : vector<5000x256xbf16>, vector<256x256xbf16>, vector<5000x256xf32> -> vector<5000x256xf32>
      %get3A_34 = arith.constant 0 : index
      %get3A_35 = arith.constant 0 : index
      %get3A_36 = vector.load %arg4[%get3A_34, %get3A_35] : memref<1x256xf32, #tpu.memory_space<vmem>>, vector<1x256xf32>
      %add3A = vector.broadcast %get3A_36 : vector<1x256xf32> to vector<5000x256xf32>
      %add3A_37 = arith.addf %dot_general3A_33, %add3A : vector<5000x256xf32>
      %swap3A_38 = arith.constant 0 : index
      %swap3A_39 = arith.constant 0 : index
      %swap3A_40 = vector.load %arg13[%swap3A_38, %swap3A_39] : memref<5000x256xf32, #tpu.memory_space<vmem>>, vector<5000x256xf32>
      tpu.vector_store %arg13[%swap3A_38, %swap3A_39], %add3A_37 {strides = array<i32>} : memref<5000x256xf32, #tpu.memory_space<vmem>>, vector<5000x256xf32>,
    } else {
    }
    %get3A = arith.constant 0 : index
    %get3A_9 = arith.constant 0 : index
    %get3A_10 = vector.load %arg13[%get3A, %get3A_9] : memref<5000x256xf32, #tpu.memory_space<vmem>>, vector<5000x256xf32>
    %convert_element_type3A_11 = arith.truncf %get3A_10 : vector<5000x256xf32> to vector<5000x256xbf16>
    %get3A_12 = arith.index_cast %arg1 : i32 to index
    %get3A_13 = arith.constant 0 : index
    %get3A_14 = arith.constant 0 : index
    %get3A_15 = vector.load %arg16[%get3A_12, %get3A_13, %get3A_14] : memref<8x256x256xbf16, #tpu.memory_space<vmem>>, vector<1x256x256xbf16>
    %get3A_16 = vector.shape_cast %get3A_15 : vector<1x256x256xbf16> to vector<256x256xbf16>
    %dot_general3A = arith.constant dense<0.000000e+00> : vector<5000x256xf32>
    %dot_general3A_17 = tpu.matmul %convert_element_type3A_11, %get3A_16, %dot_general3A {dimension_numbers = #tpu.dot_dimension_numbers<[1], [0], [0], [1], [0, 0, 1, 1], [], []>, transpose_lhs_hint = false} : vector<5000x256xbf16>, vector<256x256xbf16>, vector<5000x256xf32> -> vector<5000x256xf32>
    %slice3A = vector.extract_strided_slice %dot_general3A_17 {offsets = [0, 0], sizes = [5000, 128], strides = [1, 1]} : vector<5000x256xf32> to vector<5000x128xf32>
    %swap3A = arith.constant 0 : index
    %swap3A_18 = arith.constant 0 : index
    %swap3A_19 = vector.load %arg11[%swap3A, %swap3A_18] : memref<5000x128xf32, #tpu.memory_space<vmem>>, vector<5000x128xf32>
    tpu.vector_store %arg11[%swap3A, %swap3A_18], %slice3A {strides = array<i32>} : memref<5000x128xf32, #tpu.memory_space<vmem>>, vector<5000x128xf32>,
    %slice3A_20 = vector.extract_strided_slice %dot_general3A_17 {offsets = [0, 128], sizes = [5000, 128], strides = [1, 1]} : vector<5000x256xf32> to vector<5000x128xf32>
    %swap3A_21 = arith.constant 0 : index
    %swap3A_22 = arith.constant 0 : index
    %swap3A_23 = vector.load %arg12[%swap3A_21, %swap3A_22] : memref<5000x128xf32, #tpu.memory_space<vmem>>, vector<5000x128xf32>
    tpu.vector_store %arg12[%swap3A_21, %swap3A_22], %slice3A_20 {strides = array<i32>} : memref<5000x128xf32, #tpu.memory_space<vmem>>, vector<5000x128xf32>,
    return
  }
  func.func @transform_0(%arg0: i32, %arg1: i32) -> (i32, i32) {
    %c0_i32 = arith.constant 0 : i32
    %c0_i32_0 = arith.constant 0 : i32
    return %arg0, %c0_i32 : i32, i32
  }
  func.func @transform_1(%arg0: i32, %arg1: i32) -> (i32, i32) {
    %c0_i32 = arith.constant 0 : i32
    %c0_i32_0 = arith.constant 0 : i32
    %c0_i32_1 = arith.constant 0 : i32
    return %c0_i32, %c0_i32_0 : i32, i32
  }
  func.func @transform_2(%arg0: i32, %arg1: i32) -> (i32, i32) {
    %c0_i32 = arith.constant 0 : i32
    %c0_i32_0 = arith.constant 0 : i32
    %c0_i32_1 = arith.constant 0 : i32
    return %c0_i32, %c0_i32_0 : i32, i32
  }
  func.func @transform_3(%arg0: i32, %arg1: i32) -> (i32, i32) {
    %c0_i32 = arith.constant 0 : i32
    %c0_i32_0 = arith.constant 0 : i32
    %c0_i32_1 = arith.constant 0 : i32
    return %c0_i32, %c0_i32_0 : i32, i32
  }
  func.func @transform_4(%arg0: i32, %arg1: i32) -> (i32, i32) {
    %c0_i32 = arith.constant 0 : i32
    %c0_i32_0 = arith.constant 0 : i32
    %c0_i32_1 = arith.constant 0 : i32
    return %c0_i32, %c0_i32_0 : i32, i32
  }
  func.func @transform_5(%arg0: i32, %arg1: i32) -> (i32, i32) {
    %c0_i32 = arith.constant 0 : i32
    %c0_i32_0 = arith.constant 0 : i32
    %c0_i32_1 = arith.constant 0 : i32
    return %c0_i32, %c0_i32_0 : i32, i32
  }
  func.func @transform_6(%arg0: i32, %arg1: i32) -> (i32, i32) {
    %c0_i32 = arith.constant 0 : i32
    %c0_i32_0 = arith.constant 0 : i32
    %c0_i32_1 = arith.constant 0 : i32
    return %c0_i32, %c0_i32_0 : i32, i32
  }
  func.func @transform_7(%arg0: i32, %arg1: i32) -> (i32, i32) {
    %c0_i32 = arith.constant 0 : i32
    %c0_i32_0 = arith.constant 0 : i32
    %c0_i32_1 = arith.constant 0 : i32
    return %c0_i32, %c0_i32_0 : i32, i32
  }
  func.func @transform_8(%arg0: i32, %arg1: i32) -> (i32, i32) {
    %c0_i32 = arith.constant 0 : i32
    %c0_i32_0 = arith.constant 0 : i32
    %c0_i32_1 = arith.constant 0 : i32
    return %c0_i32, %c0_i32_0 : i32, i32
  }
  func.func @transform_9(%arg0: i32, %arg1: i32) -> (i32, i32) {
    %mul3A = arith.constant 2 : i32
    %mul3A_0 = arith.muli %arg1, %mul3A : i32
    %add3A = arith.addi %mul3A_0, %arg0 : i32
    %c0_i32 = arith.constant 0 : i32
    %c0_i32_1 = arith.constant 0 : i32
    return %add3A, %c0_i32 : i32, i32
  }
  func.func @transform_10(%arg0: i32, %arg1: i32) -> (i32, i32) {
    %mul3A = arith.constant 2 : i32
    %mul3A_0 = arith.muli %arg1, %mul3A : i32
    %add3A = arith.addi %mul3A_0, %arg0 : i32
    %c0_i32 = arith.constant 0 : i32
    %c0_i32_1 = arith.constant 0 : i32
    return %add3A, %c0_i32 : i32, i32
  }
  func.func @transform_11(%arg0: i32, %arg1: i32) -> (i32, i32) {
    %c0_i32 = arith.constant 0 : i32
    %c0_i32_0 = arith.constant 0 : i32
    return %arg0, %c0_i32 : i32, i32
  }
  func.func @transform_12(%arg0: i32, %arg1: i32) -> (i32, i32) {
    %c0_i32 = arith.constant 0 : i32
    %c0_i32_0 = arith.constant 0 : i32
    %c0_i32_1 = arith.constant 0 : i32
    return %c0_i32, %c0_i32_0 : i32, i32
  }
  func.func @transform_13(%arg0: i32, %arg1: i32) -> (i32, i32) {
    %c0_i32 = arith.constant 0 : i32
    %c0_i32_0 = arith.constant 0 : i32
    %c0_i32_1 = arith.constant 0 : i32
    return %c0_i32, %c0_i32_0 : i32, i32
  }
}

module attributes {stable_mosaic.version = 14 : i64} {
  func.func @_ln_body(%arg0: i32, %arg1: memref<5000x128xf32, #tpu.memory_space<vmem>>, %arg2: memref<5000x128xf32, #tpu.memory_space<vmem>>, %arg3: memref<5000x256xf32, #tpu.memory_space<vmem>>, %arg4: memref<256x256xf32, #tpu.memory_space<vmem>>, %arg5: memref<1x256xf32, #tpu.memory_space<vmem>>, %arg6: memref<1x256xf32, #tpu.memory_space<vmem>>, %arg7: memref<1x256xf32, #tpu.memory_space<vmem>>, %arg8: memref<5000x256xf32, #tpu.memory_space<vmem>>) attributes {dimension_semantics = [#tpu.dimension_semantics<arbitrary>], iteration_bounds = array<i64: 2>, scalar_prefetch = 0 : i64, scratch_operands = 0 : i64, tpu.core_type = #tpu.core_type<tc>, window_params = [{transform_indices = @transform_0, window_bounds = array<i64: 5000, 128>}, {transform_indices = @transform_1, window_bounds = array<i64: 5000, 128>}, {transform_indices = @transform_2, window_bounds = array<i64: 5000, 256>}, {pipeline_mode = #tpu.pipeline_mode<synchronous>, transform_indices = @transform_3, window_bounds = array<i64: 256, 256>}, {pipeline_mode = #tpu.pipeline_mode<synchronous>, transform_indices = @transform_4, window_bounds = array<i64: 1, 256>}, {pipeline_mode = #tpu.pipeline_mode<synchronous>, transform_indices = @transform_5, window_bounds = array<i64: 1, 256>}, {pipeline_mode = #tpu.pipeline_mode<synchronous>, transform_indices = @transform_6, window_bounds = array<i64: 1, 256>}, {transform_indices = @transform_7, window_bounds = array<i64: 5000, 256>}]} {
    %get3A = arith.constant 0 : index
    %get3A_0 = arith.constant 0 : index
    %get3A_1 = vector.load %arg3[%get3A, %get3A_0] : memref<5000x256xf32, #tpu.memory_space<vmem>>, vector<5000x256xf32>
    %convert_element_type3A = arith.truncf %get3A_1 : vector<5000x256xf32> to vector<5000x256xbf16>
    %get3A_2 = arith.constant 0 : index
    %get3A_3 = arith.constant 0 : index
    %get3A_4 = vector.load %arg4[%get3A_2, %get3A_3] : memref<256x256xf32, #tpu.memory_space<vmem>>, vector<256x256xf32>
    %convert_element_type3A_5 = arith.truncf %get3A_4 : vector<256x256xf32> to vector<256x256xbf16>
    %dot_general3A = arith.constant dense<0.000000e+00> : vector<5000x256xf32>
    %dot_general3A_6 = tpu.matmul %convert_element_type3A, %convert_element_type3A_5, %dot_general3A {dimension_numbers = #tpu.dot_dimension_numbers<[1], [0], [0], [1], [0, 0, 1, 1], [], []>, transpose_lhs_hint = false} : vector<5000x256xbf16>, vector<256x256xbf16>, vector<5000x256xf32> -> vector<5000x256xf32>
    %get3A_7 = arith.constant 0 : index
    %get3A_8 = arith.constant 0 : index
    %get3A_9 = vector.load %arg1[%get3A_7, %get3A_8] : memref<5000x128xf32, #tpu.memory_space<vmem>>, vector<5000x128xf32>
    %get3A_10 = arith.constant 0 : index
    %get3A_11 = arith.constant 0 : index
    %get3A_12 = vector.load %arg2[%get3A_10, %get3A_11] : memref<5000x128xf32, #tpu.memory_space<vmem>>, vector<5000x128xf32>
    %concatenate3A = tpu.concatenate %get3A_9, %get3A_12 in 1 : vector<5000x128xf32>, vector<5000x128xf32> -> vector<5000x256xf32>
    %add3A = arith.addf %concatenate3A, %dot_general3A_6 : vector<5000x256xf32>
    %get3A_13 = arith.constant 0 : index
    %get3A_14 = arith.constant 0 : index
    %get3A_15 = vector.load %arg5[%get3A_13, %get3A_14] : memref<1x256xf32, #tpu.memory_space<vmem>>, vector<1x256xf32>
    %add3A_16 = vector.broadcast %get3A_15 : vector<1x256xf32> to vector<5000x256xf32>
    %add3A_17 = arith.addf %add3A, %add3A_16 : vector<5000x256xf32>
    %reduce_sum3A = arith.constant dense<0.000000e+00> : vector<5000xf32>
    %reduce_sum3A_18 = vector.multi_reduction <add>, %add3A_17, %reduce_sum3A [1] : vector<5000x256xf32> to vector<5000xf32>
    %broadcast_in_dim3A = vector.shape_cast %reduce_sum3A_18 : vector<5000xf32> to vector<5000x1xf32>
    %div3A = arith.constant 2.560000e+02 : f32
    %div3A_19 = vector.broadcast %div3A : f32 to vector<5000x1xf32>
    %div3A_20 = arith.divf %broadcast_in_dim3A, %div3A_19 : vector<5000x1xf32>
    %sub3A = vector.broadcast %div3A_20 : vector<5000x1xf32> to vector<5000x256xf32>
    %sub3A_21 = arith.subf %add3A_17, %sub3A : vector<5000x256xf32>
    %mul3A = arith.mulf %sub3A_21, %sub3A_21 : vector<5000x256xf32>
    %reduce_sum3A_22 = arith.constant dense<0.000000e+00> : vector<5000xf32>
    %reduce_sum3A_23 = vector.multi_reduction <add>, %mul3A, %reduce_sum3A_22 [1] : vector<5000x256xf32> to vector<5000xf32>
    %broadcast_in_dim3A_24 = vector.shape_cast %reduce_sum3A_23 : vector<5000xf32> to vector<5000x1xf32>
    %div3A_25 = arith.constant 2.560000e+02 : f32
    %div3A_26 = vector.broadcast %div3A_25 : f32 to vector<5000x1xf32>
    %div3A_27 = arith.divf %broadcast_in_dim3A_24, %div3A_26 : vector<5000x1xf32>
    %add3A_28 = arith.constant 9.99999974E-6 : f32
    %add3A_29 = vector.broadcast %add3A_28 : f32 to vector<5000x1xf32>
    %add3A_30 = arith.addf %div3A_27, %add3A_29 : vector<5000x1xf32>
    %rsqrt3A = math.rsqrt %add3A_30 : vector<5000x1xf32>
    %mul3A_31 = vector.broadcast %rsqrt3A : vector<5000x1xf32> to vector<5000x256xf32>
    %mul3A_32 = arith.mulf %sub3A_21, %mul3A_31 : vector<5000x256xf32>
    %get3A_33 = arith.constant 0 : index
    %get3A_34 = arith.constant 0 : index
    %get3A_35 = vector.load %arg6[%get3A_33, %get3A_34] : memref<1x256xf32, #tpu.memory_space<vmem>>, vector<1x256xf32>
    %mul3A_36 = vector.broadcast %get3A_35 : vector<1x256xf32> to vector<5000x256xf32>
    %mul3A_37 = arith.mulf %mul3A_32, %mul3A_36 : vector<5000x256xf32>
    %get3A_38 = arith.constant 0 : index
    %get3A_39 = arith.constant 0 : index
    %get3A_40 = vector.load %arg7[%get3A_38, %get3A_39] : memref<1x256xf32, #tpu.memory_space<vmem>>, vector<1x256xf32>
    %add3A_41 = vector.broadcast %get3A_40 : vector<1x256xf32> to vector<5000x256xf32>
    %add3A_42 = arith.addf %mul3A_37, %add3A_41 : vector<5000x256xf32>
    %max3A = arith.constant 0.000000e+00 : f32
    %max3A_43 = vector.broadcast %max3A : f32 to vector<5000x256xf32>
    %max3A_44 = arith.maximumf %add3A_42, %max3A_43 : vector<5000x256xf32>
    %swap3A = arith.constant 0 : index
    %swap3A_45 = arith.constant 0 : index
    %swap3A_46 = vector.load %arg8[%swap3A, %swap3A_45] : memref<5000x256xf32, #tpu.memory_space<vmem>>, vector<5000x256xf32>
    tpu.vector_store %arg8[%swap3A, %swap3A_45], %max3A_44 {strides = array<i32>} : memref<5000x256xf32, #tpu.memory_space<vmem>>, vector<5000x256xf32>,
    return
  }
  func.func @transform_0(%arg0: i32) -> (i32, i32) {
    %c0_i32 = arith.constant 0 : i32
    %c0_i32_0 = arith.constant 0 : i32
    return %arg0, %c0_i32 : i32, i32
  }
  func.func @transform_1(%arg0: i32) -> (i32, i32) {
    %c0_i32 = arith.constant 0 : i32
    %c0_i32_0 = arith.constant 0 : i32
    return %arg0, %c0_i32 : i32, i32
  }
  func.func @transform_2(%arg0: i32) -> (i32, i32) {
    %c0_i32 = arith.constant 0 : i32
    %c0_i32_0 = arith.constant 0 : i32
    return %arg0, %c0_i32 : i32, i32
  }
  func.func @transform_3(%arg0: i32) -> (i32, i32) {
    %c0_i32 = arith.constant 0 : i32
    %c0_i32_0 = arith.constant 0 : i32
    %c0_i32_1 = arith.constant 0 : i32
    return %c0_i32, %c0_i32_0 : i32, i32
  }
  func.func @transform_4(%arg0: i32) -> (i32, i32) {
    %c0_i32 = arith.constant 0 : i32
    %c0_i32_0 = arith.constant 0 : i32
    %c0_i32_1 = arith.constant 0 : i32
    return %c0_i32, %c0_i32_0 : i32, i32
  }
  func.func @transform_5(%arg0: i32) -> (i32, i32) {
    %c0_i32 = arith.constant 0 : i32
    %c0_i32_0 = arith.constant 0 : i32
    %c0_i32_1 = arith.constant 0 : i32
    return %c0_i32, %c0_i32_0 : i32, i32
  }
  func.func @transform_6(%arg0: i32) -> (i32, i32) {
    %c0_i32 = arith.constant 0 : i32
    %c0_i32_0 = arith.constant 0 : i32
    %c0_i32_1 = arith.constant 0 : i32
    return %c0_i32, %c0_i32_0 : i32, i32
  }
  func.func @transform_7(%arg0: i32) -> (i32, i32) {
    %c0_i32 = arith.constant 0 : i32
    %c0_i32_0 = arith.constant 0 : i32
    return %arg0, %c0_i32 : i32, i32
  }
}

module attributes {stable_mosaic.version = 14 : i64} {
  func.func @_front2_body(%arg0: i32, %arg1: i32, %arg2: memref<5000x256xf32, #tpu.memory_space<vmem>>, %arg3: memref<8x65536xf32, #tpu.memory_space<vmem>>, %arg4: memref<5000x128xf32, #tpu.memory_space<vmem>>, %arg5: memref<5000x128xf32, #tpu.memory_space<vmem>>, %arg6: memref<8x256x256xbf16, #tpu.memory_space<vmem>>) attributes {dimension_semantics = [#tpu.dimension_semantics<arbitrary>, #tpu.dimension_semantics<arbitrary>], iteration_bounds = array<i64: 2, 8>, scalar_prefetch = 0 : i64, scratch_operands = 1 : i64, tpu.core_type = #tpu.core_type<tc>, window_params = [{transform_indices = @transform_0, window_bounds = array<i64: 5000, 256>}, {pipeline_mode = #tpu.pipeline_mode<synchronous>, transform_indices = @transform_1, window_bounds = array<i64: 8, 65536>}, {transform_indices = @transform_2, window_bounds = array<i64: 5000, 128>}, {transform_indices = @transform_3, window_bounds = array<i64: 5000, 128>}]} {
    %eq3A = arith.constant 0 : i32
    %eq3A_0 = arith.cmpi eq, %arg0, %eq3A : i32
    %convert_element_type3A = arith.extui %eq3A_0 : i1 to i32
    %cond3A = arith.constant 0 : i32
    %cond3A_1 = arith.cmpi ne, %convert_element_type3A, %cond3A : i32
    scf.if %cond3A_1 {
      %get3A_17 = arith.index_cast %arg1 : i32 to index
      %get3A_18 = arith.constant 0 : index
      %get3A_19 = vector.load %arg3[%get3A_17, %get3A_18] : memref<8x65536xf32, #tpu.memory_space<vmem>>, vector<1x65536xf32>
      %get3A_20 = vector.shape_cast %get3A_19 : vector<1x65536xf32> to vector<65536xf32>
      %convert_element_type3A_21 = arith.truncf %get3A_20 : vector<65536xf32> to vector<65536xbf16>
      %reshape3A = vector.shape_cast %convert_element_type3A_21 : vector<65536xbf16> to vector<256x256xbf16>
      %swap3A_22 = arith.index_cast %arg1 : i32 to index
      %swap3A_23 = arith.constant 0 : index
      %swap3A_24 = arith.constant 0 : index
      %swap3A_25 = vector.load %arg6[%swap3A_22, %swap3A_23, %swap3A_24] : memref<8x256x256xbf16, #tpu.memory_space<vmem>>, vector<1x256x256xbf16>
      %swap3A_26 = vector.shape_cast %swap3A_25 : vector<1x256x256xbf16> to vector<256x256xbf16>
      %swap3A_27 = vector.shape_cast %reshape3A : vector<256x256xbf16> to vector<1x256x256xbf16>
      tpu.vector_store %arg6[%swap3A_22, %swap3A_23, %swap3A_24], %swap3A_27 {strides = array<i32>} : memref<8x256x256xbf16, #tpu.memory_space<vmem>>, vector<1x256x256xbf16>,
    } else {
    }
    %get3A = arith.constant 0 : index
    %get3A_2 = arith.constant 0 : index
    %get3A_3 = vector.load %arg2[%get3A, %get3A_2] : memref<5000x256xf32, #tpu.memory_space<vmem>>, vector<5000x256xf32>
    %convert_element_type3A_4 = arith.truncf %get3A_3 : vector<5000x256xf32> to vector<5000x256xbf16>
    %get3A_5 = arith.index_cast %arg1 : i32 to index
    %get3A_6 = arith.constant 0 : index
    %get3A_7 = arith.constant 0 : index
    %get3A_8 = vector.load %arg6[%get3A_5, %get3A_6, %get3A_7] : memref<8x256x256xbf16, #tpu.memory_space<vmem>>, vector<1x256x256xbf16>
    %get3A_9 = vector.shape_cast %get3A_8 : vector<1x256x256xbf16> to vector<256x256xbf16>
    %dot_general3A = arith.constant dense<0.000000e+00> : vector<5000x256xf32>
    %dot_general3A_10 = tpu.matmul %convert_element_type3A_4, %get3A_9, %dot_general3A {dimension_numbers = #tpu.dot_dimension_numbers<[1], [0], [0], [1], [0, 0, 1, 1], [], []>, transpose_lhs_hint = false} : vector<5000x256xbf16>, vector<256x256xbf16>, vector<5000x256xf32> -> vector<5000x256xf32>
    %slice3A = vector.extract_strided_slice %dot_general3A_10 {offsets = [0, 0], sizes = [5000, 128], strides = [1, 1]} : vector<5000x256xf32> to vector<5000x128xf32>
    %swap3A = arith.constant 0 : index
    %swap3A_11 = arith.constant 0 : index
    %swap3A_12 = vector.load %arg4[%swap3A, %swap3A_11] : memref<5000x128xf32, #tpu.memory_space<vmem>>, vector<5000x128xf32>
    tpu.vector_store %arg4[%swap3A, %swap3A_11], %slice3A {strides = array<i32>} : memref<5000x128xf32, #tpu.memory_space<vmem>>, vector<5000x128xf32>,
    %slice3A_13 = vector.extract_strided_slice %dot_general3A_10 {offsets = [0, 128], sizes = [5000, 128], strides = [1, 1]} : vector<5000x256xf32> to vector<5000x128xf32>
    %swap3A_14 = arith.constant 0 : index
    %swap3A_15 = arith.constant 0 : index
    %swap3A_16 = vector.load %arg5[%swap3A_14, %swap3A_15] : memref<5000x128xf32, #tpu.memory_space<vmem>>, vector<5000x128xf32>
    tpu.vector_store %arg5[%swap3A_14, %swap3A_15], %slice3A_13 {strides = array<i32>} : memref<5000x128xf32, #tpu.memory_space<vmem>>, vector<5000x128xf32>,
    return
  }
  func.func @transform_0(%arg0: i32, %arg1: i32) -> (i32, i32) {
    %c0_i32 = arith.constant 0 : i32
    %c0_i32_0 = arith.constant 0 : i32
    return %arg0, %c0_i32 : i32, i32
  }
  func.func @transform_1(%arg0: i32, %arg1: i32) -> (i32, i32) {
    %c0_i32 = arith.constant 0 : i32
    %c0_i32_0 = arith.constant 0 : i32
    %c0_i32_1 = arith.constant 0 : i32
    return %c0_i32, %c0_i32_0 : i32, i32
  }
  func.func @transform_2(%arg0: i32, %arg1: i32) -> (i32, i32) {
    %mul3A = arith.constant 2 : i32
    %mul3A_0 = arith.muli %arg1, %mul3A : i32
    %add3A = arith.addi %mul3A_0, %arg0 : i32
    %c0_i32 = arith.constant 0 : i32
    %c0_i32_1 = arith.constant 0 : i32
    return %add3A, %c0_i32 : i32, i32
  }
  func.func @transform_3(%arg0: i32, %arg1: i32) -> (i32, i32) {
    %mul3A = arith.constant 2 : i32
    %mul3A_0 = arith.muli %arg1, %mul3A : i32
    %add3A = arith.addi %mul3A_0, %arg0 : i32
    %c0_i32 = arith.constant 0 : i32
    %c0_i32_1 = arith.constant 0 : i32
    return %add3A, %c0_i32 : i32, i32
  }
}

module attributes {stable_mosaic.version = 14 : i64} {
  func.func @_ln_body(%arg0: i32, %arg1: memref<5000x128xf32, #tpu.memory_space<vmem>>, %arg2: memref<5000x128xf32, #tpu.memory_space<vmem>>, %arg3: memref<5000x256xf32, #tpu.memory_space<vmem>>, %arg4: memref<256x256xf32, #tpu.memory_space<vmem>>, %arg5: memref<1x256xf32, #tpu.memory_space<vmem>>, %arg6: memref<1x256xf32, #tpu.memory_space<vmem>>, %arg7: memref<1x256xf32, #tpu.memory_space<vmem>>, %arg8: memref<5000x256xf32, #tpu.memory_space<vmem>>) attributes {dimension_semantics = [#tpu.dimension_semantics<arbitrary>], iteration_bounds = array<i64: 2>, scalar_prefetch = 0 : i64, scratch_operands = 0 : i64, tpu.core_type = #tpu.core_type<tc>, window_params = [{transform_indices = @transform_0, window_bounds = array<i64: 5000, 128>}, {transform_indices = @transform_1, window_bounds = array<i64: 5000, 128>}, {transform_indices = @transform_2, window_bounds = array<i64: 5000, 256>}, {pipeline_mode = #tpu.pipeline_mode<synchronous>, transform_indices = @transform_3, window_bounds = array<i64: 256, 256>}, {pipeline_mode = #tpu.pipeline_mode<synchronous>, transform_indices = @transform_4, window_bounds = array<i64: 1, 256>}, {pipeline_mode = #tpu.pipeline_mode<synchronous>, transform_indices = @transform_5, window_bounds = array<i64: 1, 256>}, {pipeline_mode = #tpu.pipeline_mode<synchronous>, transform_indices = @transform_6, window_bounds = array<i64: 1, 256>}, {transform_indices = @transform_7, window_bounds = array<i64: 5000, 256>}]} {
    %get3A = arith.constant 0 : index
    %get3A_0 = arith.constant 0 : index
    %get3A_1 = vector.load %arg3[%get3A, %get3A_0] : memref<5000x256xf32, #tpu.memory_space<vmem>>, vector<5000x256xf32>
    %convert_element_type3A = arith.truncf %get3A_1 : vector<5000x256xf32> to vector<5000x256xbf16>
    %get3A_2 = arith.constant 0 : index
    %get3A_3 = arith.constant 0 : index
    %get3A_4 = vector.load %arg4[%get3A_2, %get3A_3] : memref<256x256xf32, #tpu.memory_space<vmem>>, vector<256x256xf32>
    %convert_element_type3A_5 = arith.truncf %get3A_4 : vector<256x256xf32> to vector<256x256xbf16>
    %dot_general3A = arith.constant dense<0.000000e+00> : vector<5000x256xf32>
    %dot_general3A_6 = tpu.matmul %convert_element_type3A, %convert_element_type3A_5, %dot_general3A {dimension_numbers = #tpu.dot_dimension_numbers<[1], [0], [0], [1], [0, 0, 1, 1], [], []>, transpose_lhs_hint = false} : vector<5000x256xbf16>, vector<256x256xbf16>, vector<5000x256xf32> -> vector<5000x256xf32>
    %get3A_7 = arith.constant 0 : index
    %get3A_8 = arith.constant 0 : index
    %get3A_9 = vector.load %arg1[%get3A_7, %get3A_8] : memref<5000x128xf32, #tpu.memory_space<vmem>>, vector<5000x128xf32>
    %get3A_10 = arith.constant 0 : index
    %get3A_11 = arith.constant 0 : index
    %get3A_12 = vector.load %arg2[%get3A_10, %get3A_11] : memref<5000x128xf32, #tpu.memory_space<vmem>>, vector<5000x128xf32>
    %concatenate3A = tpu.concatenate %get3A_9, %get3A_12 in 1 : vector<5000x128xf32>, vector<5000x128xf32> -> vector<5000x256xf32>
    %add3A = arith.addf %concatenate3A, %dot_general3A_6 : vector<5000x256xf32>
    %get3A_13 = arith.constant 0 : index
    %get3A_14 = arith.constant 0 : index
    %get3A_15 = vector.load %arg5[%get3A_13, %get3A_14] : memref<1x256xf32, #tpu.memory_space<vmem>>, vector<1x256xf32>
    %add3A_16 = vector.broadcast %get3A_15 : vector<1x256xf32> to vector<5000x256xf32>
    %add3A_17 = arith.addf %add3A, %add3A_16 : vector<5000x256xf32>
    %reduce_sum3A = arith.constant dense<0.000000e+00> : vector<5000xf32>
    %reduce_sum3A_18 = vector.multi_reduction <add>, %add3A_17, %reduce_sum3A [1] : vector<5000x256xf32> to vector<5000xf32>
    %broadcast_in_dim3A = vector.shape_cast %reduce_sum3A_18 : vector<5000xf32> to vector<5000x1xf32>
    %div3A = arith.constant 2.560000e+02 : f32
    %div3A_19 = vector.broadcast %div3A : f32 to vector<5000x1xf32>
    %div3A_20 = arith.divf %broadcast_in_dim3A, %div3A_19 : vector<5000x1xf32>
    %sub3A = vector.broadcast %div3A_20 : vector<5000x1xf32> to vector<5000x256xf32>
    %sub3A_21 = arith.subf %add3A_17, %sub3A : vector<5000x256xf32>
    %mul3A = arith.mulf %sub3A_21, %sub3A_21 : vector<5000x256xf32>
    %reduce_sum3A_22 = arith.constant dense<0.000000e+00> : vector<5000xf32>
    %reduce_sum3A_23 = vector.multi_reduction <add>, %mul3A, %reduce_sum3A_22 [1] : vector<5000x256xf32> to vector<5000xf32>
    %broadcast_in_dim3A_24 = vector.shape_cast %reduce_sum3A_23 : vector<5000xf32> to vector<5000x1xf32>
    %div3A_25 = arith.constant 2.560000e+02 : f32
    %div3A_26 = vector.broadcast %div3A_25 : f32 to vector<5000x1xf32>
    %div3A_27 = arith.divf %broadcast_in_dim3A_24, %div3A_26 : vector<5000x1xf32>
    %add3A_28 = arith.constant 9.99999974E-6 : f32
    %add3A_29 = vector.broadcast %add3A_28 : f32 to vector<5000x1xf32>
    %add3A_30 = arith.addf %div3A_27, %add3A_29 : vector<5000x1xf32>
    %rsqrt3A = math.rsqrt %add3A_30 : vector<5000x1xf32>
    %mul3A_31 = vector.broadcast %rsqrt3A : vector<5000x1xf32> to vector<5000x256xf32>
    %mul3A_32 = arith.mulf %sub3A_21, %mul3A_31 : vector<5000x256xf32>
    %get3A_33 = arith.constant 0 : index
    %get3A_34 = arith.constant 0 : index
    %get3A_35 = vector.load %arg6[%get3A_33, %get3A_34] : memref<1x256xf32, #tpu.memory_space<vmem>>, vector<1x256xf32>
    %mul3A_36 = vector.broadcast %get3A_35 : vector<1x256xf32> to vector<5000x256xf32>
    %mul3A_37 = arith.mulf %mul3A_32, %mul3A_36 : vector<5000x256xf32>
    %get3A_38 = arith.constant 0 : index
    %get3A_39 = arith.constant 0 : index
    %get3A_40 = vector.load %arg7[%get3A_38, %get3A_39] : memref<1x256xf32, #tpu.memory_space<vmem>>, vector<1x256xf32>
    %add3A_41 = vector.broadcast %get3A_40 : vector<1x256xf32> to vector<5000x256xf32>
    %add3A_42 = arith.addf %mul3A_37, %add3A_41 : vector<5000x256xf32>
    %swap3A = arith.constant 0 : index
    %swap3A_43 = arith.constant 0 : index
    %swap3A_44 = vector.load %arg8[%swap3A, %swap3A_43] : memref<5000x256xf32, #tpu.memory_space<vmem>>, vector<5000x256xf32>
    tpu.vector_store %arg8[%swap3A, %swap3A_43], %add3A_42 {strides = array<i32>} : memref<5000x256xf32, #tpu.memory_space<vmem>>, vector<5000x256xf32>,
    return
  }
  func.func @transform_0(%arg0: i32) -> (i32, i32) {
    %c0_i32 = arith.constant 0 : i32
    %c0_i32_0 = arith.constant 0 : i32
    return %arg0, %c0_i32 : i32, i32
  }
  func.func @transform_1(%arg0: i32) -> (i32, i32) {
    %c0_i32 = arith.constant 0 : i32
    %c0_i32_0 = arith.constant 0 : i32
    return %arg0, %c0_i32 : i32, i32
  }
  func.func @transform_2(%arg0: i32) -> (i32, i32) {
    %c0_i32 = arith.constant 0 : i32
    %c0_i32_0 = arith.constant 0 : i32
    return %arg0, %c0_i32 : i32, i32
  }
  func.func @transform_3(%arg0: i32) -> (i32, i32) {
    %c0_i32 = arith.constant 0 : i32
    %c0_i32_0 = arith.constant 0 : i32
    %c0_i32_1 = arith.constant 0 : i32
    return %c0_i32, %c0_i32_0 : i32, i32
  }
  func.func @transform_4(%arg0: i32) -> (i32, i32) {
    %c0_i32 = arith.constant 0 : i32
    %c0_i32_0 = arith.constant 0 : i32
    %c0_i32_1 = arith.constant 0 : i32
    return %c0_i32, %c0_i32_0 : i32, i32
  }
  func.func @transform_5(%arg0: i32) -> (i32, i32) {
    %c0_i32 = arith.constant 0 : i32
    %c0_i32_0 = arith.constant 0 : i32
    %c0_i32_1 = arith.constant 0 : i32
    return %c0_i32, %c0_i32_0 : i32, i32
  }
  func.func @transform_6(%arg0: i32) -> (i32, i32) {
    %c0_i32 = arith.constant 0 : i32
    %c0_i32_0 = arith.constant 0 : i32
    %c0_i32_1 = arith.constant 0 : i32
    return %c0_i32, %c0_i32_0 : i32, i32
  }
  func.func @transform_7(%arg0: i32) -> (i32, i32) {
    %c0_i32 = arith.constant 0 : i32
    %c0_i32_0 = arith.constant 0 : i32
    return %arg0, %c0_i32 : i32, i32
  }
}

</mosaic_0001>

<sc_bundles>
// kernel: kernel.11.cloned.1.call-start
scs
__scs_entry_jumppad:
0x0: {  	(pc) =	sbr.rel $0x88, $3  }
0x1: {  	(tag) =	ssettag $0x0;
	lr =	simm.s32 $0x1  }
0x2: {  	[smem:$0x3F90] =	sst lr;
	_ =	strace $0xD0000000  }
0x3: {  	_ = 	snop  }
0x4: {  	_ = 	snop  }
0x5: {  	_ = 	snop  }
0x6: {  	_ = 	snop  }
0x7: {  	_ = 	snop  }
__scs_overlays_trampoline_lowered:
0x8: {  	[smem:$0x3F9F] =	sst s0  }
0x9: {  	[smem:$0x3FA0] =	sst s1  }
0xa: {  	[smem:$0x3FA1] =	sst s2  }
0xb: {  	[smem:$0x3FA2] =	sst s3  }
0xc: {  	[smem:$0x3FA3] =	sst s4  }
0xd: {  	[smem:$0x3FA4] =	sst s5  }
0xe: {  	[smem:$0x3FA5] =	sst s6  }
0xf: {  	[smem:$0x3FA6] =	sst s7  }
0x10: {  	[smem:$0x3FA7] =	sst s8  }
0x11: {  	[smem:$0x3FA8] =	sst s9;
	s0 =	simm.s32 @!p0 $0x0  }
0x12: {  	s1 =	sld [smem:$0x3F8E];
	s0 =	simm.s32 @p0 $0x1  }
0x13: {  	[smem:$0x3FA9] =	sst s0;
	s0 =	simm.s32 @!p1 $0x0  }
0x14: {  	s2 =	sld [smem:$0x3F8D];
	s0 =	simm.s32 @p1 $0x1  }
0x15: {  	[smem:$0x3FAA] =	sst s0;
	s0 =	simm.s32 @!p2 $0x0  }
0x16: {  	s3 =	sld [smem:$0x3FDB];
	s0 =	simm.s32 @p2 $0x1  }
0x17: {  	s4 =	simm.s32 $0x1BF5;
	[smem:$0x3FAC] =	sst s0  }
0x18: {  	s0 =	sld [smem:$0x3F8F];
	_ =	swait.ge [sflag:s4], $0x0  }
0x19: {  	s7 =	sld [smem:$0x3F90]  }
0x1a: {  	s8 =	sadd.s32 $0xFFFFE003, lr  }
0x1b: {  	s9 =	sadd.s32 $0xFFFFFEF7, lr;
	s5 =	simm.s32 $0xFFFFFFFF;
	p2 =	slt.u32 s8, $0xFFFFF086  }
0x1c: {  	p1 =	slt.u32 s9, $0xF7A;
	s5 =	simm.s32 @!p2 $0x0  }
0x1d: {  	s5 =	simm.s32 @p1 $0x1;
	p0 =	seq.s32 s7, s2  }
0x1e: {  	s7 =	smul.u32 @!p0 $0xF7A, s2;
	p2 =	seq.s32 @!p0 s5, $0x0  }
0x1f: {  	s9 =	smul.u32 $0xF7A, s1;
	s8 =	simm.s32 @!p0 $0x1BF5;
	p2 =	por !p2, p0  }
0x20: {  	[sflag:s8] =	ssyncset.s32 @!p0 $0xFFFFF086;
	s6 =	sadd.s32 @!p0 s3, s7;
	s7 =	simm.s32 @!p0 $0x108  }
0x21: {  	s3 =	sadd.s32 s3, s9;
	s6 =	sadd.s32 @!p0 $0x88, s6;
	s7 =	simm.s32 @p2 $0x1082  }
0x22: {  	[simem:s7], [sflag:s8] =	dma.local @!p0 [hbm:s6], $0xF7A  }
0x23: {  	s9 =	sor.u32 $0xD0000000, s2;
	s6 =	simm.s32 $0x108;
	_ =	swait.ge @!p0 [sflag:s8], $0x0  }
0x24: {  	s3 =	sadd.s32 $0x88, s3;
	s6 =	simm.s32 @!p1 $0x1082;
	[sflag:s4] =	ssyncset.s32 $0xFFFFF086  }
0x25: {  	[simem:s6], [sflag:s4] =	dma.local [hbm:s3], $0xF7A  }
0x26: {  	[smem:$0x3F90] =	sst s1;
	(tag) =	ssettag s2;
	_ =	strace s9  }
0x27: {  	s1 =	sld [smem:$0x3FA0]  }
0x28: {  	s2 =	sld [smem:$0x3FA1]  }
0x29: {  	s4 =	sld [smem:$0x3FA3]  }
0x2a: {  	p0 =	seq.s32 s5, $0x0;
	s5 =	sld [smem:$0x3FA4]  }
0x2b: {  	s6 =	sld [smem:$0x3FA5]  }
0x2c: {  	s7 =	sld [smem:$0x3FA6]  }
0x2d: {  	s3 =	simm.s32 $0x108;
	s8 =	sld [smem:$0x3FA7]  }
0x2e: {  	s3 =	simm.s32 @!p0 $0x1082;
	s9 =	sld [smem:$0x3FA8]  }
0x2f: {  	lr =	sadd.s32 s0, s3;
	s0 =	sld [smem:$0x3F9F]  }
0x30: {  	s3 =	sld [smem:$0x3FA2]  }
0x31: {  	[smem:$0x3FAB] =	sst s10  }
0x32: {  	s10 =	sld [smem:$0x3FA9];
	_ =	sdelay $0x3  }
0x33: {  	p0 =	seq.s32 s10, $0x1;
	s10 =	sld [smem:$0x3FAB];
	_ =	sdelay $0x3  }
0x34: {  	[smem:$0x3FAB] =	sst s10  }
0x35: {  	s10 =	sld [smem:$0x3FAA];
	_ =	sdelay $0x3  }
0x36: {  	p1 =	seq.s32 s10, $0x1;
	s10 =	sld [smem:$0x3FAB];
	_ =	sdelay $0x3  }
0x37: {  	[smem:$0x3FAB] =	sst s10  }
0x38: {  	s10 =	sld [smem:$0x3FAC]  }
0x39: {  	_ = 	snop;
	(pc) =	sbr.ind lr, $3  }
0x3a: {  	_ = 	snop  }
0x3b: {  	_ = 	snop  }
0x3c: {  	p2 =	seq.s32 s10, $0x1;
	s10 =	sld [smem:$0x3FAB]  }
0x3d: {  	_ =	shalt  }
0x3e: {  	_ =	shalt  }
0x3f: {  	_ =	shalt  }
0x40: {  	_ =	shalt  }
0x41: {  	_ =	shalt  }
0x42: {  	_ =	shalt  }
0x43: {  	_ =	shalt  }
0x44: {  	_ =	shalt  }
0x45: {  	_ =	shalt  }
0x46: {  	_ =	shalt  }
0x47: {  	_ =	shalt  }
0x48: {  	_ =	shalt  }
0x49: {  	_ =	shalt  }
0x4a: {  	_ =	shalt  }
0x4b: {  	_ =	shalt  }
0x4c: {  	_ =	shalt  }
0x4d: {  	_ =	shalt  }
0x4e: {  	_ =	shalt  }
0x4f: {  	_ =	shalt  }
0x50: {  	_ =	shalt  }
0x51: {  	_ =	shalt  }
0x52: {  	_ =	shalt  }
0x53: {  	_ =	shalt  }
0x54: {  	_ =	shalt  }
0x55: {  	_ =	shalt  }
0x56: {  	_ =	shalt  }
0x57: {  	_ =	shalt  }
0x58: {  	_ =	shalt  }
0x59: {  	_ =	shalt  }
0x5a: {  	_ =	shalt  }
0x5b: {  	_ =	shalt  }
0x5c: {  	_ =	shalt  }
0x5d: {  	_ =	shalt  }
0x5e: {  	_ =	shalt  }
0x5f: {  	_ =	shalt  }
0x60: {  	_ =	shalt  }
0x61: {  	_ =	shalt  }
0x62: {  	_ =	shalt  }
0x63: {  	_ =	shalt  }
0x64: {  	_ =	shalt  }
0x65: {  	_ =	shalt  }
0x66: {  	_ =	shalt  }
0x67: {  	_ =	shalt  }
0x68: {  	_ =	shalt  }
0x69: {  	_ =	shalt  }
0x6a: {  	_ =	shalt  }
0x6b: {  	_ =	shalt  }
0x6c: {  	_ =	shalt  }
0x6d: {  	_ =	shalt  }
0x6e: {  	_ =	shalt  }
0x6f: {  	_ =	shalt  }
0x70: {  	_ =	shalt  }
0x71: {  	_ =	shalt  }
0x72: {  	_ =	shalt  }
0x73: {  	_ =	shalt  }
0x74: {  	_ =	shalt  }
0x75: {  	_ =	shalt  }
0x76: {  	_ =	shalt  }
0x77: {  	_ =	shalt  }
0x78: {  	_ =	shalt  }
0x79: {  	_ =	shalt  }
0x7a: {  	_ =	shalt  }
0x7b: {  	_ =	shalt  }
0x7c: {  	_ =	shalt  }
0x7d: {  	_ =	shalt  }
0x7e: {  	_ =	shalt  }
0x7f: {  	_ =	shalt  }
0x80: {  	_ =	shalt  }
0x81: {  	_ =	shalt  }
0x82: {  	_ =	shalt  }
0x83: {  	_ =	shalt  }
0x84: {  	_ =	shalt  }
0x85: {  	_ =	shalt  }
0x86: {  	_ =	shalt  }
0x87: {  	_ =	shalt  }
.Lfunc_end0:
.L_simem_size_0:
called_computation.1_lowered:
.L_overlay_start_0:
0x88: {  	s2 =	sld [smem:$0x3FD9]  }
0x89: {  	s3 =	sld [smem:$0x3FFE];
	_ =	sdelay $0x1  }
0x8a: {  	s1 =	srdreg.scid  }
0x8b: {  	s0 =	sand.u32 $0x1, s1  }
0x8c: {  	s17 =	sshll.u32 s0, $0xA;
	s2 =	sadd.s32 s3, s2  }
0x8d: {  	s2 =	sadd.s32 s2, s17  }
0x8e: {  	[smem:$0x3FB7] =	sst s2  }
0x8f: {  	_ = 	snop  }
0x90: {  	s2 =	sld [smem:$0x3FD0];
	(tm) =	ssettm $0x1  }
0x91: {  	s18 =	sld [smem:$0x3FFB];
	_ =	sdelay $0x3  }
0x92: {  	_ =	strace s18  }
0x93: {  	s3 =	sld [smem:$0x3FFC];
	_ =	sdelay $0x3  }
0x94: {  	_ =	strace s3  }
0x95: {  	s3 =	sld [smem:$0x3FFD];
	_ =	sdelay $0x3  }
0x96: {  	_ =	strace s3  }
0x97: {  	_ =	strace $0x8FFFFFFF  }
0x98: {  	s19 =	sld [smem:$0x3FDB];
	_ =	sdelay $0x1  }
0x99: {  	s4 =	simm.s32 $_scs_section_size  }
0x9a: {  	s5 =	simm.s32 $_size__tile_overlayer_lowered;
	s6 =	simm.s32 $_tile_overlayer_lowered  }
0x9b: {  	s22 =	simm.s32 $0x1BFF;
	s21 =	sshll.u32 s6, $0x1;
	s3 =	sadd.s32 s4, s19  }
0x9c: {  	s7 =	simm.s32 $0x0;
	s20 =	sshll.u32 s5, $0x1;
	s5 =	sadd.s32 s21, s3  }
0x9d: {  	[timem:s7], [sflag:s22] =	dma.local [hbm:s5], s20  }
0x9e: {  	_ =	swait.ge [sflag:s22], s20  }
0x9f: {  	s4 =	ssub.s32 $0x0, s20;
	[sflag:s22] =	ssyncset.done $0x0  }
0xa0: {  	[sflag:s22] =	ssyncadd.s32 s4;
	_ =	sdelay $0x1  }
0xa1: {  	s23 =	simm.s32 $0x1B8B  }
0xa2: {  	_ =	swait.ge [sflag:s23], $0x1  }
0xa3: {  	[sflag:s23] =	ssyncset.done $0x0  }
0xa4: {  	s25 =	simm.s32 $0x1B8E;
	s24 =	sld [smem:$0x3FFE];
	[sflag:s23] =	ssyncadd.s32 $0xFFFFFFFF  }
0xa5: {  	s26 =	simm.s32 $execute0_lowered;
	[smem:$0x3FD2] =	sst s25  }
0xa6: {  	s5 =	sshll.u32 s26, $0x1;
	_ =	strace $0x80000049;
	[dreg:$0x1] =	wrdreg $0xFFFFFFFF  }
0xa7: {  	s28 =	simm.s32 $_size_execute0_lowered;
	s3 =	sadd.s32 s3, s5;
	[dreg:$0x0] =	wrdreg $0x0  }
0xa8: {  	s5 =	sshll.u32 s28, $0x1;
	[dreg:$0x2] =	wrdreg s3  }
0xa9: {  	[dreg:$0x3] =	wrdreg s5  }
0xaa: {  	[dreg:$0x4] =	wrdreg $0xC0  }
0xab: {  	_ =	task [dreg:s7], $0x5FFFF  }
0xac: {  	[dreg:$0x1] =	wrdreg $0xFFFFFFFF  }
0xad: {  	[dreg:$0x0] =	wrdreg $0x60  }
0xae: {  	[dreg:$0x2] =	wrdreg s24  }
0xaf: {  	[dreg:$0x3] =	wrdreg s2  }
0xb0: {  	[dreg:$0x4] =	wrdreg $0x90000  }
0xb1: {  	[dreg:$0x5] =	wrdreg $0x9  }
0xb2: {  	_ =	task.clear_ibuf [dreg:s7], $0x6FFFF;
	_ =	strace $0x90000049  }
0xb3: {  	s29 =	simm.s32 $0x9;
	_ =	strace $0x8000004B  }
0xb4: {  	_ =	swait.ge [sflag:s29], $0x1  }
0xb5: {  	[sflag:s29] =	ssyncadd.s32 $0xFFFFFFFF  }
0xb6: {  	_ =	strace $0x9000004B  }
0xb7: {  	_ =	sfence  }
0xb8: {  	s30 =	sld [smem:$0x0];
	_ =	sdelay $0x2  }
0xb9: {  	s31 =	sshll.u32 s1, $0xD;
	s1 =	sshrl.u32 s1, $0x2  }
0xba: {  	s3 =	sand.u32 $0x4000, s31;
	s1 =	sadd.s32 s1, s30  }
0xbb: {  	s0 =	sor.u32 s3, s0;
	s1 =	sshll.u32 s1, $0x11  }
0xbc: {  	s0 =	sor.u32 s1, s0  }
0xbd: {  	s0 =	sadd.s32 $0x8F2B, s0  }
0xbe: {  	[sflag:s0] =	ssyncadd.remote.s32 $0x1  }
0xbf: {  	_ =	sfence.sel $0xFFFF  }
0xc0: {  	[dreg:$0x0] =	wrdreg $0xFFFFFFFF;
	(pc) =	sbr.abs _section_cstart, $3  }
0xc1: {  	[dreg:$0x1] =	wrdreg $0xFFFFFFFF  }
0xc2: {  	_ =	task.clear_ibuf [dreg:s7], $0x2FFFF;
	_ =	strace $0x9FFFFFFF  }
0xc3: {  	(tm) =	ssettm $0x7FFFFFFF  }
tec
execute0_lowered:
.L_overlay_start_1:
0x0: {  	(tag) =	ssettag $0x1  }
0x1: {  	s7 =	rddreg [dreg:$0x0]  }
0x2: {  	s10 =	rddreg [dreg:$0x1]  }
0x3: {  	s2 =	rddreg [dreg:$0x2]  }
0x4: {  	s0 =	rddreg [dreg:$0x3];
	s3 =	simm.s32 $0x0  }
0x5: {  	s1 =	stileid.u32;
	s8 =	srdreg.scid;
	s17 =	simm.s32 $0x2800  }
0x6: {  	s18 =	simm.s32 $0x80;
	s19 =	simm.s32 $0x5000;
	s20 =	simm.s32 $0x1  }
0x7: {  	s22 =	simm.s32 $0x0;
	[smem:$0x7FF] =	sst s3;
	s6 =	smul.u32 $0x500, s1  }
0x8: {  	s4 =	sadd.s32 $0x8600, s7;
	s5 =	sadd.s32 $0x140E00, s7;
	s11 =	smul.u32 $0x3E80, s1  }
0x9: {  	s16 =	sand.u32 $0x1, s8;
	s13 =	smul.u32 $0x7D000, s1;
	p2 =	slt.u32 s1, $0xA  }
0xa: {  	s15 =	sadd.s32 $0x138800, s2;
	_ =	strace $0x8000004A;
	s8 =	ssub.s32 $0x2, s16  }
0xb: {  	p0 =	seq.s32 s16, $0x0;
	p5 =	sne.s32 s16, $0x0;
	s9 =	sadd.s32 s6, s7  }
0xc: {  	s6 =	sadd.s32 $0x27E600, s7;
	s12 =	sshrl.u32 s8, $0x1;
	s14 =	sadd.s32 s11, s7  }
0xd: {  	s31 =	sshrl.u32 s13, $0x2;
	p1 =	por !p2, !p0;
	p0 =	seq.s32 s16, $0x1  }
0xe: {  	s10 =	sadd.s32 s10, s11;
	s16 =	simm.s32 $0x2;
	s12 =	ssub.s32 s8, s12  }
0xf: {  	s7 =	sadd.s32 s31, s2;
	s8 =	sadd.s32 $0x279600, s9;
	s9 =	sadd.s32 $0x3600, s9  }
.Ltmp0:
0x10: {  	p1 =	por !p1, !p1;
	p3 =	por !p2, !p0;
	(pc) =	sbr.rel .LBB2_1-.Ltmp0, $4  }
0x11: {  	p2 =	sgt.u32 s1, $0x9;
	s11 =	sadd.s32 $0x282600, s14;
	p3 =	por !p3, !p3  }
0x12: {  	p4 =	sne.s32 @p2 s1, $0xA;
	s12 =	smax.u32 s12, $0x1;
	s14 =	sshll.u32 @!p2 s1, $0x6  }
0x13: {  	s21 =	sshll.u32 @p1 s1, $0x6;
	p4 =	por p4, !p2;
	s14 =	sor.u32 @!p2 $0x1C02, s14  }
0x14: {  	s21 =	sor.u32 @p1 $0x1C02, s21;
	s13 =	sshrl.u32 @!p4 s15, $0x3;
	s15 =	sshrl.u32 @!p2 s7, $0x3  }
.LBB2_8:
0x15: {  	s23 =	sshra.s32 s23, $0x2;
	[sflag:s16] =	ssyncadd.s32 $0xFFFFC000  }
0x16: {  	[tilespmem:s19], [sflag:$0x1] =	stream.indirect.gather [hbm4b:s5+s18], $0x80, s23, s18, $0xb8;
	[tilespmem:$0x1C8C0] =	vst v63  }
0x17: {  	_ =	swait.ge [sflag:s20], $0x4000  }
0x18: {  	[sflag:s20] =	ssyncset.done $0x0  }
0x19: {  	s23 =	sadd.s32 $0x2800, s23;
	[sflag:s20] =	ssyncadd.s32 $0xFFFFC000  }
0x1a: {  	[spmem:s2] =	stream.indirect.scatter.add.f32 [tilespmem:s19], [sflag:$0x2], $0x80, s23, s18, $0xb8;
	[tilespmem:$0x1C8C0] =	vst v63  }
0x1b: {  	_ =	swait.ge [sflag:s16], $0x4000  }
0x1c: {  	[sflag:s16] =	ssyncset.done $0x0  }
0x1d: {  	[sflag:s16] =	ssyncadd.s32 $0xFFFFC000  }
.LBB2_9:
0x1e: {  	[bflag:$0x0] =	sbarrier.arrive $0xFFFF;
	s23 =	sshrl.u32 @p1 s7, $0x3  }
0x1f: {  	[hbm:s10], [sflag:s21] =	dma.local @p1 [spmem:s23], $0x3E80  }
0x20: {  	s23 =	simm.s32 @p1 $0x2  }
0x21: {  	s22 =	sadd.s32 $0x1, s22;
	_ =	swait.ge @p1 [sflag:s23], $0x3E80  }
0x22: {  	s24 =	sshll.u32 @p3 s1, $0x6;
	p6 =	sne.s32 s22, s12;
	[sflag:s23] =	ssyncset.done @p1 $0x0  }
0x23: {  	[sflag:s23] =	ssyncadd.s32 @p1 $0xFFFFC180;
	s23 =	sor.u32 @p3 $0x1C02, s24;
	s24 =	sshrl.u32 @p3 s7, $0x3  }
0x24: {  	[hbm:s11], [sflag:s23] =	dma.local @p3 [spmem:s24], $0x3E80  }
.Ltmp1:
0x25: {  	_ = 	snop;
	(pc) =	sbr.rel @!p6 .LBB2_10-.Ltmp1, $4  }
0x26: {  	s23 =	simm.s32 @p3 $0x2  }
0x27: {  	_ =	swait.ge @p3 [sflag:s23], $0x3E80  }
0x28: {  	[sflag:s23] =	ssyncset.done @p3 $0x0  }
0x29: {  	[sflag:s23] =	ssyncadd.s32 @p3 $0xFFFFC180  }
.LBB2_1:
0x2a: {  	s23 =	simm.s32 @!p4 $0x1E82  }
0x2b: {  	[spmem:s13], [sflag:s23] =	dma.local @!p4 [hbm:s6], $0x80  }
0x2c: {  	s23 =	simm.s32 @!p4 $0x2  }
0x2d: {  	_ =	swait.ge @!p4 [sflag:s23], $0x80  }
0x2e: {  	[sflag:s23] =	ssyncset.done @!p4 $0x0  }
0x2f: {  	[sflag:s23] =	ssyncadd.s32 @!p4 $0xFFFFFF80;
	s23 =	simm.s32 @!p2 $0x2  }
0x30: {  	[spmem:s15], [sflag:s14] =	dma.local @!p2 [hbm:s6], $0x3E80  }
0x31: {  	_ =	swait.ge @!p2 [sflag:s23], $0x3E80  }
0x32: {  	[sflag:s23] =	ssyncset.done @!p2 $0x0  }
0x33: {  	[sflag:s23] =	ssyncadd.s32 @!p2 $0xFFFFC180  }
0x34: {  	[tilespmem:s3], [sflag:$0x2] =	stream.linear.gather [hbm4b:s8+s3], $0x2780, $0x38;
	[tilespmem:$0x1C8C0] =	vst v63  }
0x35: {  	_ =	swait.ge [sflag:s16], $0x2780  }
0x36: {  	[sflag:s16] =	ssyncset.done $0x0  }
0x37: {  	[sflag:s16] =	ssyncadd.s32 $0xFFFFD880  }
0x38: {  	[tilespmem:s17], [sflag:$0x2] =	stream.linear.gather [hbm4b:s9+s3], $0x2780, $0x38;
	[tilespmem:$0x1C8C0] =	vst v63  }
.Ltmp2:
0x39: {  	_ =	swait.ge [sflag:s16], $0x2780;
	(pc) =	sbr.rel @p5 .LBB2_5-.Ltmp2, $3  }
0x3a: {  	[sflag:s16] =	ssyncset.done $0x0  }
0x3b: {  	[sflag:s16] =	ssyncadd.s32 $0xFFFFD880  }
0x3c: {  	[bflag:$0x0] =	sbarrier.arrive $0xFFFF;
	_ =	sdelay $0x1  }
0x3d: {  	s23 =	simm.s32 $0x0  }
0x3e: {  	[tilespmem:s19], [sflag:$0x1] =	stream.indirect.gather [hbm4b:s4+s18], $0x80, s23, s18, $0xb8;
	[tilespmem:$0x1C8C0] =	vst v63  }
0x3f: {  	_ =	swait.ge [sflag:s20], $0x4000  }
0x40: {  	[sflag:s20] =	ssyncset.done $0x0  }
0x41: {  	s31 =	simm.s32 $0x2800;
	[sflag:s20] =	ssyncadd.s32 $0xFFFFC000  }
0x42: {  	[spmem:s2] =	stream.indirect.scatter.add.f32 [tilespmem:s19], [sflag:$0x2], $0x80, s31, s18, $0xb8;
	[tilespmem:$0x1C8C0] =	vst v63  }
0x43: {  	_ =	swait.ge [sflag:s16], $0x4000  }
0x44: {  	s24 =	simm.s32 $0x400;
	s23 =	simm.s32 $0x200;
	[sflag:s16] =	ssyncset.done $0x0  }
.LBB2_3:
0x45: {  	s25 =	sshra.s32 s23, $0x2  }
0x46: {  	[sflag:s16] =	ssyncadd.s32 $0xFFFFC000;
	s23 =	smov.u32 s24;
	s26 =	sadd.s32 $0x200, s24  }
0x47: {  	[tilespmem:s19], [sflag:$0x1] =	stream.indirect.gather [hbm4b:s4+s18], $0x80, s25, s18, $0xb8;
	[tilespmem:$0x1C8C0] =	vst v63  }
0x48: {  	p6 =	sne.s32 s24, $0x9C00;
	_ =	swait.ge [sflag:s20], $0x4000  }
.Ltmp3:
0x49: {  	[sflag:s20] =	ssyncset.done $0x0;
	(pc) =	sbr.rel @p6 .LBB2_3-.Ltmp3, $4  }
0x4a: {  	s24 =	sadd.s32 $0x2800, s25;
	[sflag:s20] =	ssyncadd.s32 $0xFFFFC000  }
0x4b: {  	[spmem:s2] =	stream.indirect.scatter.add.f32 [tilespmem:s19], [sflag:$0x2], $0x80, s24, s18, $0xb8;
	[tilespmem:$0x1C8C0] =	vst v63  }
0x4c: {  	_ =	swait.ge [sflag:s16], $0x4000  }
0x4d: {  	s24 =	smov.u32 s26;
	[sflag:s16] =	ssyncset.done $0x0  }
0x4e: {  	s23 =	sshra.s32 s23, $0x2;
	[sflag:s16] =	ssyncadd.s32 $0xFFFFC000  }
0x4f: {  	[tilespmem:s19], [sflag:$0x1] =	stream.indirect.gather [hbm4b:s4+s18], $0x80, s23, s18, $0xb8;
	[tilespmem:$0x1C8C0] =	vst v63  }
0x50: {  	_ =	swait.ge [sflag:s20], $0x4000  }
0x51: {  	[sflag:s20] =	ssyncset.done $0x0  }
0x52: {  	s23 =	sadd.s32 $0x2800, s23;
	[sflag:s20] =	ssyncadd.s32 $0xFFFFC000  }
0x53: {  	[spmem:s2] =	stream.indirect.scatter.add.f32 [tilespmem:s19], [sflag:$0x2], $0x80, s23, s18, $0xb8;
	[tilespmem:$0x1C8C0] =	vst v63  }
0x54: {  	_ =	swait.ge [sflag:s16], $0x4000  }
0x55: {  	[sflag:s16] =	ssyncset.done $0x0  }
0x56: {  	[sflag:s16] =	ssyncadd.s32 $0xFFFFC000  }
.LBB2_5:
.Ltmp4:
0x57: {  	(pc) =	sbr.rel @!p0 .LBB2_9-.Ltmp4, $1  }
0x58: {  	_ =	sdelay $0x3  }
0x59: {  	s23 =	simm.s32 $0x0  }
0x5a: {  	[tilespmem:s19], [sflag:$0x1] =	stream.indirect.gather [hbm4b:s5+s18], $0x80, s23, s18, $0xb8;
	[tilespmem:$0x1C8C0] =	vst v63  }
0x5b: {  	_ =	swait.ge [sflag:s20], $0x4000  }
0x5c: {  	[sflag:s20] =	ssyncset.done $0x0  }
0x5d: {  	s31 =	simm.s32 $0x2800;
	[sflag:s20] =	ssyncadd.s32 $0xFFFFC000  }
0x5e: {  	[spmem:s2] =	stream.indirect.scatter.add.f32 [tilespmem:s19], [sflag:$0x2], $0x80, s31, s18, $0xb8;
	[tilespmem:$0x1C8C0] =	vst v63  }
0x5f: {  	_ =	swait.ge [sflag:s16], $0x4000  }
0x60: {  	s24 =	simm.s32 $0x400;
	s23 =	simm.s32 $0x200;
	[sflag:s16] =	ssyncset.done $0x0  }
.LBB2_7:
0x61: {  	s25 =	sshra.s32 s23, $0x2  }
0x62: {  	[sflag:s16] =	ssyncadd.s32 $0xFFFFC000;
	s23 =	smov.u32 s24;
	s26 =	sadd.s32 $0x200, s24  }
0x63: {  	[tilespmem:s19], [sflag:$0x1] =	stream.indirect.gather [hbm4b:s5+s18], $0x80, s25, s18, $0xb8;
	[tilespmem:$0x1C8C0] =	vst v63  }
0x64: {  	p6 =	sne.s32 s24, $0x9C00;
	_ =	swait.ge [sflag:s20], $0x4000  }
.Ltmp5:
0x65: {  	[sflag:s20] =	ssyncset.done $0x0;
	(pc) =	sbr.rel @p6 .LBB2_7-.Ltmp5, $4  }
0x66: {  	s24 =	sadd.s32 $0x2800, s25;
	[sflag:s20] =	ssyncadd.s32 $0xFFFFC000  }
0x67: {  	[spmem:s2] =	stream.indirect.scatter.add.f32 [tilespmem:s19], [sflag:$0x2], $0x80, s24, s18, $0xb8;
	[tilespmem:$0x1C8C0] =	vst v63  }
0x68: {  	_ =	swait.ge [sflag:s16], $0x4000  }
0x69: {  	s24 =	smov.u32 s26;
	[sflag:s16] =	ssyncset.done $0x0  }
.Ltmp6:
0x6a: {  	_ = 	snop;
	(pc) =	sbr.rel .LBB2_8-.Ltmp6, $1  }
0x6b: {  	_ =	sdelay $0x3  }
.LBB2_10:
0x6c: {  	_ =	sfence.sel $0x180000  }
0x6d: {  	[bflag:$0x0] =	sbarrier.arrive $0xFFFF  }
0x6e: {  	p0 =	sne.s32 s1, $0x0;
	_ =	strace $0x9000004A  }
0x6f: {  	s0 =	sadd.s32 @!p0 $0x100000, s0;
	[bflag:$0x2] =	sbarrier.arrive $0xFFFF  }
0x70: {  	[sflag:s0] =	ssyncadd.tile.s32 @!p0 $0x1;
	_ =	shalt  }
.Lfunc_end2:
_tile_overlayer_lowered:
.L_overlay_start_2:
0x71: {  	(tag) =	ssettag $0x2  }
0x72: {  	s0 =	rddreg [dreg:$0x0];
	s2 =	stileid.u32  }
0x73: {  	s1 =	rddreg [dreg:$0x1];
	p0 =	sne.s32 s2, $0x0  }
0x74: {  	s3 =	rddreg [dreg:$0x2];
	[bflag:$0x3] =	sbarrier.arrive $0xFFFF;
	s2 =	simm.s32 @!p0 $0x1C02  }
0x75: {  	[timem:s3], [sflag:s2] =	dma.local @!p0 [hbm:s0], s1  }
0x76: {  	s0 =	simm.s32 @!p0 $0x2  }
0x77: {  	_ =	swait.ge @!p0 [sflag:s0], s1  }
0x78: {  	s1 =	ssub.s32 @!p0 $0x0, s1;
	[sflag:s0] =	ssyncset.done @!p0 $0x0  }
0x79: {  	[sflag:s0] =	ssyncadd.s32 @!p0 s1  }
0x7a: {  	[bflag:$0x3] =	sbarrier.arrive $0xFFFF  }
0x7b: {  	_ =	shalt  }

// kernel: kernel.8.cloned.1.call-start
scs
__scs_entry_jumppad:
0x0: {  	(pc) =	sbr.rel $0x88, $3  }
0x1: {  	(tag) =	ssettag $0x0;
	lr =	simm.s32 $0x1  }
0x2: {  	[smem:$0x3F90] =	sst lr;
	_ =	strace $0xD0000000  }
0x3: {  	_ = 	snop  }
0x4: {  	_ = 	snop  }
0x5: {  	_ = 	snop  }
0x6: {  	_ = 	snop  }
0x7: {  	_ = 	snop  }
__scs_overlays_trampoline_lowered:
0x8: {  	[smem:$0x3F9F] =	sst s0  }
0x9: {  	[smem:$0x3FA0] =	sst s1  }
0xa: {  	[smem:$0x3FA1] =	sst s2  }
0xb: {  	[smem:$0x3FA2] =	sst s3  }
0xc: {  	[smem:$0x3FA3] =	sst s4  }
0xd: {  	[smem:$0x3FA4] =	sst s5  }
0xe: {  	[smem:$0x3FA5] =	sst s6  }
0xf: {  	[smem:$0x3FA6] =	sst s7  }
0x10: {  	[smem:$0x3FA7] =	sst s8  }
0x11: {  	[smem:$0x3FA8] =	sst s9;
	s0 =	simm.s32 @!p0 $0x0  }
0x12: {  	s1 =	sld [smem:$0x3F8E];
	s0 =	simm.s32 @p0 $0x1  }
0x13: {  	[smem:$0x3FA9] =	sst s0;
	s0 =	simm.s32 @!p1 $0x0  }
0x14: {  	s2 =	sld [smem:$0x3F8D];
	s0 =	simm.s32 @p1 $0x1  }
0x15: {  	[smem:$0x3FAA] =	sst s0;
	s0 =	simm.s32 @!p2 $0x0  }
0x16: {  	s3 =	sld [smem:$0x3FDB];
	s0 =	simm.s32 @p2 $0x1  }
0x17: {  	s4 =	simm.s32 $0x1BF5;
	[smem:$0x3FAC] =	sst s0  }
0x18: {  	s0 =	sld [smem:$0x3F8F];
	_ =	swait.ge [sflag:s4], $0x0  }
0x19: {  	s7 =	sld [smem:$0x3F90]  }
0x1a: {  	s8 =	sadd.s32 $0xFFFFE003, lr  }
0x1b: {  	s9 =	sadd.s32 $0xFFFFFEF7, lr;
	s5 =	simm.s32 $0xFFFFFFFF;
	p2 =	slt.u32 s8, $0xFFFFF086  }
0x1c: {  	p1 =	slt.u32 s9, $0xF7A;
	s5 =	simm.s32 @!p2 $0x0  }
0x1d: {  	s5 =	simm.s32 @p1 $0x1;
	p0 =	seq.s32 s7, s2  }
0x1e: {  	s7 =	smul.u32 @!p0 $0xF7A, s2;
	p2 =	seq.s32 @!p0 s5, $0x0  }
0x1f: {  	s9 =	smul.u32 $0xF7A, s1;
	s8 =	simm.s32 @!p0 $0x1BF5;
	p2 =	por !p2, p0  }
0x20: {  	[sflag:s8] =	ssyncset.s32 @!p0 $0xFFFFF086;
	s6 =	sadd.s32 @!p0 s3, s7;
	s7 =	simm.s32 @!p0 $0x108  }
0x21: {  	s3 =	sadd.s32 s3, s9;
	s6 =	sadd.s32 @!p0 $0x88, s6;
	s7 =	simm.s32 @p2 $0x1082  }
0x22: {  	[simem:s7], [sflag:s8] =	dma.local @!p0 [hbm:s6], $0xF7A  }
0x23: {  	s9 =	sor.u32 $0xD0000000, s2;
	s6 =	simm.s32 $0x108;
	_ =	swait.ge @!p0 [sflag:s8], $0x0  }
0x24: {  	s3 =	sadd.s32 $0x88, s3;
	s6 =	simm.s32 @!p1 $0x1082;
	[sflag:s4] =	ssyncset.s32 $0xFFFFF086  }
0x25: {  	[simem:s6], [sflag:s4] =	dma.local [hbm:s3], $0xF7A  }
0x26: {  	[smem:$0x3F90] =	sst s1;
	(tag) =	ssettag s2;
	_ =	strace s9  }
0x27: {  	s1 =	sld [smem:$0x3FA0]  }
0x28: {  	s2 =	sld [smem:$0x3FA1]  }
0x29: {  	s4 =	sld [smem:$0x3FA3]  }
0x2a: {  	p0 =	seq.s32 s5, $0x0;
	s5 =	sld [smem:$0x3FA4]  }
0x2b: {  	s6 =	sld [smem:$0x3FA5]  }
0x2c: {  	s7 =	sld [smem:$0x3FA6]  }
0x2d: {  	s3 =	simm.s32 $0x108;
	s8 =	sld [smem:$0x3FA7]  }
0x2e: {  	s3 =	simm.s32 @!p0 $0x1082;
	s9 =	sld [smem:$0x3FA8]  }
0x2f: {  	lr =	sadd.s32 s0, s3;
	s0 =	sld [smem:$0x3F9F]  }
0x30: {  	s3 =	sld [smem:$0x3FA2]  }
0x31: {  	[smem:$0x3FAB] =	sst s10  }
0x32: {  	s10 =	sld [smem:$0x3FA9];
	_ =	sdelay $0x3  }
0x33: {  	p0 =	seq.s32 s10, $0x1;
	s10 =	sld [smem:$0x3FAB];
	_ =	sdelay $0x3  }
0x34: {  	[smem:$0x3FAB] =	sst s10  }
0x35: {  	s10 =	sld [smem:$0x3FAA];
	_ =	sdelay $0x3  }
0x36: {  	p1 =	seq.s32 s10, $0x1;
	s10 =	sld [smem:$0x3FAB];
	_ =	sdelay $0x3  }
0x37: {  	[smem:$0x3FAB] =	sst s10  }
0x38: {  	s10 =	sld [smem:$0x3FAC]  }
0x39: {  	_ = 	snop;
	(pc) =	sbr.ind lr, $3  }
0x3a: {  	_ = 	snop  }
0x3b: {  	_ = 	snop  }
0x3c: {  	p2 =	seq.s32 s10, $0x1;
	s10 =	sld [smem:$0x3FAB]  }
0x3d: {  	_ =	shalt  }
0x3e: {  	_ =	shalt  }
0x3f: {  	_ =	shalt  }
0x40: {  	_ =	shalt  }
0x41: {  	_ =	shalt  }
0x42: {  	_ =	shalt  }
0x43: {  	_ =	shalt  }
0x44: {  	_ =	shalt  }
0x45: {  	_ =	shalt  }
0x46: {  	_ =	shalt  }
0x47: {  	_ =	shalt  }
0x48: {  	_ =	shalt  }
0x49: {  	_ =	shalt  }
0x4a: {  	_ =	shalt  }
0x4b: {  	_ =	shalt  }
0x4c: {  	_ =	shalt  }
0x4d: {  	_ =	shalt  }
0x4e: {  	_ =	shalt  }
0x4f: {  	_ =	shalt  }
0x50: {  	_ =	shalt  }
0x51: {  	_ =	shalt  }
0x52: {  	_ =	shalt  }
0x53: {  	_ =	shalt  }
0x54: {  	_ =	shalt  }
0x55: {  	_ =	shalt  }
0x56: {  	_ =	shalt  }
0x57: {  	_ =	shalt  }
0x58: {  	_ =	shalt  }
0x59: {  	_ =	shalt  }
0x5a: {  	_ =	shalt  }
0x5b: {  	_ =	shalt  }
0x5c: {  	_ =	shalt  }
0x5d: {  	_ =	shalt  }
0x5e: {  	_ =	shalt  }
0x5f: {  	_ =	shalt  }
0x60: {  	_ =	shalt  }
0x61: {  	_ =	shalt  }
0x62: {  	_ =	shalt  }
0x63: {  	_ =	shalt  }
0x64: {  	_ =	shalt  }
0x65: {  	_ =	shalt  }
0x66: {  	_ =	shalt  }
0x67: {  	_ =	shalt  }
0x68: {  	_ =	shalt  }
0x69: {  	_ =	shalt  }
0x6a: {  	_ =	shalt  }
0x6b: {  	_ =	shalt  }
0x6c: {  	_ =	shalt  }
0x6d: {  	_ =	shalt  }
0x6e: {  	_ =	shalt  }
0x6f: {  	_ =	shalt  }
0x70: {  	_ =	shalt  }
0x71: {  	_ =	shalt  }
0x72: {  	_ =	shalt  }
0x73: {  	_ =	shalt  }
0x74: {  	_ =	shalt  }
0x75: {  	_ =	shalt  }
0x76: {  	_ =	shalt  }
0x77: {  	_ =	shalt  }
0x78: {  	_ =	shalt  }
0x79: {  	_ =	shalt  }
0x7a: {  	_ =	shalt  }
0x7b: {  	_ =	shalt  }
0x7c: {  	_ =	shalt  }
0x7d: {  	_ =	shalt  }
0x7e: {  	_ =	shalt  }
0x7f: {  	_ =	shalt  }
0x80: {  	_ =	shalt  }
0x81: {  	_ =	shalt  }
0x82: {  	_ =	shalt  }
0x83: {  	_ =	shalt  }
0x84: {  	_ =	shalt  }
0x85: {  	_ =	shalt  }
0x86: {  	_ =	shalt  }
0x87: {  	_ =	shalt  }
.Lfunc_end0:
.L_simem_size_0:
called_computation_lowered:
.L_overlay_start_0:
0x88: {  	s2 =	sld [smem:$0x3FD9]  }
0x89: {  	s3 =	sld [smem:$0x3FFE];
	_ =	sdelay $0x1  }
0x8a: {  	s1 =	srdreg.scid  }
0x8b: {  	s0 =	sand.u32 $0x1, s1  }
0x8c: {  	s16 =	sshll.u32 s0, $0xA;
	s2 =	sadd.s32 s3, s2  }
0x8d: {  	s2 =	sadd.s32 s2, s16  }
0x8e: {  	[smem:$0x3FB7] =	sst s2  }
0x8f: {  	_ = 	snop  }
0x90: {  	(tm) =	ssettm $0x1  }
0x91: {  	s17 =	sld [smem:$0x3FFB];
	_ =	sdelay $0x3  }
0x92: {  	_ =	strace s17  }
0x93: {  	s2 =	sld [smem:$0x3FFC];
	_ =	sdelay $0x3  }
0x94: {  	_ =	strace s2  }
0x95: {  	s2 =	sld [smem:$0x3FFD];
	_ =	sdelay $0x3  }
0x96: {  	_ =	strace s2  }
0x97: {  	_ =	strace $0x8FFFFFFF  }
0x98: {  	s18 =	sld [smem:$0x3FDB];
	_ =	sdelay $0x1  }
0x99: {  	s19 =	simm.s32 $_scs_section_size  }
0x9a: {  	s4 =	simm.s32 $_size__tile_overlayer_lowered;
	s5 =	simm.s32 $_tile_overlayer_lowered  }
0x9b: {  	s22 =	simm.s32 $0x1BFF;
	s21 =	sshll.u32 s5, $0x1;
	s2 =	sadd.s32 s19, s18  }
0x9c: {  	s6 =	simm.s32 $0x0;
	s20 =	sshll.u32 s4, $0x1;
	s4 =	sadd.s32 s21, s2  }
0x9d: {  	[timem:s6], [sflag:s22] =	dma.local [hbm:s4], s20  }
0x9e: {  	_ =	swait.ge [sflag:s22], s20  }
0x9f: {  	s3 =	ssub.s32 $0x0, s20;
	[sflag:s22] =	ssyncset.done $0x0  }
0xa0: {  	[sflag:s22] =	ssyncadd.s32 s3;
	_ =	sdelay $0x1  }
0xa1: {  	s23 =	simm.s32 $0x1B8B  }
0xa2: {  	_ =	swait.ge [sflag:s23], $0x1  }
0xa3: {  	[sflag:s23] =	ssyncset.done $0x0  }
0xa4: {  	s25 =	simm.s32 $0x1B8E;
	s24 =	sld [smem:$0x3FFE];
	[sflag:s23] =	ssyncadd.s32 $0xFFFFFFFF  }
0xa5: {  	s26 =	simm.s32 $execute0_lowered;
	[smem:$0x3FD2] =	sst s25  }
0xa6: {  	s4 =	sshll.u32 s26, $0x1;
	_ =	strace $0x80000046;
	[dreg:$0x1] =	wrdreg $0xFFFFFFFF  }
0xa7: {  	s28 =	simm.s32 $_size_execute0_lowered;
	s2 =	sadd.s32 s2, s4;
	[dreg:$0x0] =	wrdreg $0x0  }
0xa8: {  	s4 =	sshll.u32 s28, $0x1;
	[dreg:$0x2] =	wrdreg s2  }
0xa9: {  	[dreg:$0x3] =	wrdreg s4  }
0xaa: {  	[dreg:$0x4] =	wrdreg $0xC0  }
0xab: {  	_ =	task [dreg:s6], $0x5FFFF  }
0xac: {  	[dreg:$0x1] =	wrdreg $0xFFFFFFFF  }
0xad: {  	[dreg:$0x0] =	wrdreg $0x60  }
0xae: {  	[dreg:$0x2] =	wrdreg s24  }
0xaf: {  	[dreg:$0x3] =	wrdreg $0x90000  }
0xb0: {  	[dreg:$0x4] =	wrdreg $0x9  }
0xb1: {  	_ =	task.clear_ibuf [dreg:s6], $0x5FFFF;
	_ =	strace $0x90000046  }
0xb2: {  	s29 =	simm.s32 $0x9;
	_ =	strace $0x80000048  }
0xb3: {  	_ =	swait.ge [sflag:s29], $0x1  }
0xb4: {  	[sflag:s29] =	ssyncadd.s32 $0xFFFFFFFF  }
0xb5: {  	_ =	strace $0x90000048  }
0xb6: {  	_ =	sfence  }
0xb7: {  	s30 =	sld [smem:$0x0];
	_ =	sdelay $0x2  }
0xb8: {  	s31 =	sshll.u32 s1, $0xD;
	s1 =	sshrl.u32 s1, $0x2  }
0xb9: {  	s3 =	sand.u32 $0x4000, s31;
	s1 =	sadd.s32 s1, s30  }
0xba: {  	s0 =	sor.u32 s3, s0;
	s1 =	sshll.u32 s1, $0x11  }
0xbb: {  	s0 =	sor.u32 s1, s0  }
0xbc: {  	s0 =	sadd.s32 $0x8F2B, s0  }
0xbd: {  	[sflag:s0] =	ssyncadd.remote.s32 $0x1  }
0xbe: {  	_ =	sfence.sel $0xFFFF  }
0xbf: {  	[dreg:$0x0] =	wrdreg $0xFFFFFFFF;
	(pc) =	sbr.abs _section_cstart, $3  }
0xc0: {  	[dreg:$0x1] =	wrdreg $0xFFFFFFFF  }
0xc1: {  	_ =	task.clear_ibuf [dreg:s6], $0x2FFFF;
	_ =	strace $0x9FFFFFFF  }
0xc2: {  	(tm) =	ssettm $0x7FFFFFFF  }
0xc3: {  	_ =	shalt  }
tec
execute0_lowered:
.L_overlay_start_1:
0x0: {  	(tag) =	ssettag $0x1  }
0x1: {  	s7 =	rddreg [dreg:$0x0]  }
0x2: {  	s2 =	rddreg [dreg:$0x1]  }
0x3: {  	s0 =	rddreg [dreg:$0x2];
	s3 =	simm.s32 $0x0  }
0x4: {  	s1 =	stileid.u32;
	s8 =	srdreg.scid;
	s17 =	simm.s32 $0x2800  }
0x5: {  	s18 =	simm.s32 $0x80;
	s19 =	simm.s32 $0x5000;
	s20 =	simm.s32 $0x1  }
0x6: {  	s22 =	simm.s32 $0x0;
	[smem:$0x7FF] =	sst s3;
	s6 =	smul.u32 $0x500, s1  }
0x7: {  	s4 =	sadd.s32 $0x8600, s7;
	s5 =	sadd.s32 $0x140E00, s7;
	s30 =	smul.u32 $0x3E80, s1  }
0x8: {  	s16 =	sand.u32 $0x1, s8;
	s12 =	smul.u32 $0x7D000, s1;
	p2 =	slt.u32 s1, $0xA  }
0x9: {  	s15 =	sadd.s32 $0x138800, s2;
	_ =	strace $0x80000047;
	s10 =	ssub.s32 $0x2, s16  }
0xa: {  	p0 =	seq.s32 s16, $0x0;
	p5 =	sne.s32 s16, $0x0;
	s9 =	sadd.s32 s6, s7  }
0xb: {  	s6 =	sadd.s32 $0x27E600, s7;
	s11 =	sshrl.u32 s10, $0x1;
	s13 =	sadd.s32 s30, s7  }
0xc: {  	s31 =	sshrl.u32 s12, $0x2;
	p1 =	por !p2, !p0;
	p0 =	seq.s32 s16, $0x1  }
0xd: {  	s16 =	simm.s32 $0x2;
	s14 =	ssub.s32 s10, s11;
	s7 =	sadd.s32 s31, s2  }
0xe: {  	s8 =	sadd.s32 $0x279600, s9;
	s9 =	sadd.s32 $0x3600, s9;
	p1 =	por !p1, !p1  }
.Ltmp0:
0xf: {  	s10 =	sadd.s32 $0x282600, s13;
	p3 =	por !p2, !p0;
	(pc) =	sbr.rel .LBB2_1-.Ltmp0, $4  }
0x10: {  	p2 =	sgt.u32 s1, $0x9;
	s11 =	sadd.s32 $0x2A9800, s13;
	p3 =	por !p3, !p3  }
0x11: {  	p4 =	sne.s32 @p2 s1, $0xA;
	s12 =	smax.u32 s14, $0x1;
	s14 =	sshll.u32 @!p2 s1, $0x6  }
0x12: {  	s21 =	sshll.u32 @p1 s1, $0x6;
	p4 =	por p4, !p2;
	s14 =	sor.u32 @!p2 $0x1C02, s14  }
0x13: {  	s21 =	sor.u32 @p1 $0x1C02, s21;
	s13 =	sshrl.u32 @!p4 s15, $0x3;
	s15 =	sshrl.u32 @!p2 s7, $0x3  }
.LBB2_8:
0x14: {  	s23 =	sshra.s32 s23, $0x2;
	[sflag:s16] =	ssyncadd.s32 $0xFFFFC000  }
0x15: {  	[tilespmem:s19], [sflag:$0x1] =	stream.indirect.gather [hbm4b:s5+s18], $0x80, s23, s18, $0xb8;
	[tilespmem:$0x1C8C0] =	vst v63  }
0x16: {  	_ =	swait.ge [sflag:s20], $0x4000  }
0x17: {  	[sflag:s20] =	ssyncset.done $0x0  }
0x18: {  	s23 =	sadd.s32 $0x2800, s23;
	[sflag:s20] =	ssyncadd.s32 $0xFFFFC000  }
0x19: {  	[spmem:s2] =	stream.indirect.scatter.add.f32 [tilespmem:s19], [sflag:$0x2], $0x80, s23, s18, $0xb8;
	[tilespmem:$0x1C8C0] =	vst v63  }
0x1a: {  	_ =	swait.ge [sflag:s16], $0x4000  }
0x1b: {  	[sflag:s16] =	ssyncset.done $0x0  }
0x1c: {  	[sflag:s16] =	ssyncadd.s32 $0xFFFFC000  }
.LBB2_9:
0x1d: {  	[bflag:$0x0] =	sbarrier.arrive $0xFFFF;
	s23 =	sshrl.u32 @p1 s7, $0x3  }
0x1e: {  	[hbm:s10], [sflag:s21] =	dma.local @p1 [spmem:s23], $0x3E80  }
0x1f: {  	s23 =	simm.s32 @p1 $0x2  }
0x20: {  	s22 =	sadd.s32 $0x1, s22;
	_ =	swait.ge @p1 [sflag:s23], $0x3E80  }
0x21: {  	s24 =	sshll.u32 @p3 s1, $0x6;
	p6 =	sne.s32 s22, s12;
	[sflag:s23] =	ssyncset.done @p1 $0x0  }
0x22: {  	[sflag:s23] =	ssyncadd.s32 @p1 $0xFFFFC180;
	s23 =	sor.u32 @p3 $0x1C02, s24;
	s24 =	sshrl.u32 @p3 s7, $0x3  }
0x23: {  	[hbm:s11], [sflag:s23] =	dma.local @p3 [spmem:s24], $0x3E80  }
.Ltmp1:
0x24: {  	_ = 	snop;
	(pc) =	sbr.rel @!p6 .LBB2_10-.Ltmp1, $4  }
0x25: {  	s23 =	simm.s32 @p3 $0x2  }
0x26: {  	_ =	swait.ge @p3 [sflag:s23], $0x3E80  }
0x27: {  	[sflag:s23] =	ssyncset.done @p3 $0x0  }
0x28: {  	[sflag:s23] =	ssyncadd.s32 @p3 $0xFFFFC180  }
.LBB2_1:
0x29: {  	s23 =	simm.s32 @!p4 $0x1E82  }
0x2a: {  	[spmem:s13], [sflag:s23] =	dma.local @!p4 [hbm:s6], $0x80  }
0x2b: {  	s23 =	simm.s32 @!p4 $0x2  }
0x2c: {  	_ =	swait.ge @!p4 [sflag:s23], $0x80  }
0x2d: {  	[sflag:s23] =	ssyncset.done @!p4 $0x0  }
0x2e: {  	[sflag:s23] =	ssyncadd.s32 @!p4 $0xFFFFFF80;
	s23 =	simm.s32 @!p2 $0x2  }
0x2f: {  	[spmem:s15], [sflag:s14] =	dma.local @!p2 [hbm:s6], $0x3E80  }
0x30: {  	_ =	swait.ge @!p2 [sflag:s23], $0x3E80  }
0x31: {  	[sflag:s23] =	ssyncset.done @!p2 $0x0  }
0x32: {  	[sflag:s23] =	ssyncadd.s32 @!p2 $0xFFFFC180  }
0x33: {  	[tilespmem:s3], [sflag:$0x2] =	stream.linear.gather [hbm4b:s8+s3], $0x2780, $0x38;
	[tilespmem:$0x1C8C0] =	vst v63  }
0x34: {  	_ =	swait.ge [sflag:s16], $0x2780  }
0x35: {  	[sflag:s16] =	ssyncset.done $0x0  }
0x36: {  	[sflag:s16] =	ssyncadd.s32 $0xFFFFD880  }
0x37: {  	[tilespmem:s17], [sflag:$0x2] =	stream.linear.gather [hbm4b:s9+s3], $0x2780, $0x38;
	[tilespmem:$0x1C8C0] =	vst v63  }
.Ltmp2:
0x38: {  	_ =	swait.ge [sflag:s16], $0x2780;
	(pc) =	sbr.rel @p5 .LBB2_5-.Ltmp2, $3  }
0x39: {  	[sflag:s16] =	ssyncset.done $0x0  }
0x3a: {  	[sflag:s16] =	ssyncadd.s32 $0xFFFFD880  }
0x3b: {  	[bflag:$0x0] =	sbarrier.arrive $0xFFFF;
	_ =	sdelay $0x1  }
0x3c: {  	s23 =	simm.s32 $0x0  }
0x3d: {  	[tilespmem:s19], [sflag:$0x1] =	stream.indirect.gather [hbm4b:s4+s18], $0x80, s23, s18, $0xb8;
	[tilespmem:$0x1C8C0] =	vst v63  }
0x3e: {  	_ =	swait.ge [sflag:s20], $0x4000  }
0x3f: {  	[sflag:s20] =	ssyncset.done $0x0  }
0x40: {  	s31 =	simm.s32 $0x2800;
	[sflag:s20] =	ssyncadd.s32 $0xFFFFC000  }
0x41: {  	[spmem:s2] =	stream.indirect.scatter.add.f32 [tilespmem:s19], [sflag:$0x2], $0x80, s31, s18, $0xb8;
	[tilespmem:$0x1C8C0] =	vst v63  }
0x42: {  	_ =	swait.ge [sflag:s16], $0x4000  }
0x43: {  	s24 =	simm.s32 $0x400;
	s23 =	simm.s32 $0x200;
	[sflag:s16] =	ssyncset.done $0x0  }
.LBB2_3:
0x44: {  	s25 =	sshra.s32 s23, $0x2  }
0x45: {  	[sflag:s16] =	ssyncadd.s32 $0xFFFFC000;
	s23 =	smov.u32 s24;
	s26 =	sadd.s32 $0x200, s24  }
0x46: {  	[tilespmem:s19], [sflag:$0x1] =	stream.indirect.gather [hbm4b:s4+s18], $0x80, s25, s18, $0xb8;
	[tilespmem:$0x1C8C0] =	vst v63  }
0x47: {  	p6 =	sne.s32 s24, $0x9C00;
	_ =	swait.ge [sflag:s20], $0x4000  }
.Ltmp3:
0x48: {  	[sflag:s20] =	ssyncset.done $0x0;
	(pc) =	sbr.rel @p6 .LBB2_3-.Ltmp3, $4  }
0x49: {  	s24 =	sadd.s32 $0x2800, s25;
	[sflag:s20] =	ssyncadd.s32 $0xFFFFC000  }
0x4a: {  	[spmem:s2] =	stream.indirect.scatter.add.f32 [tilespmem:s19], [sflag:$0x2], $0x80, s24, s18, $0xb8;
	[tilespmem:$0x1C8C0] =	vst v63  }
0x4b: {  	_ =	swait.ge [sflag:s16], $0x4000  }
0x4c: {  	s24 =	smov.u32 s26;
	[sflag:s16] =	ssyncset.done $0x0  }
0x4d: {  	s23 =	sshra.s32 s23, $0x2;
	[sflag:s16] =	ssyncadd.s32 $0xFFFFC000  }
0x4e: {  	[tilespmem:s19], [sflag:$0x1] =	stream.indirect.gather [hbm4b:s4+s18], $0x80, s23, s18, $0xb8;
	[tilespmem:$0x1C8C0] =	vst v63  }
0x4f: {  	_ =	swait.ge [sflag:s20], $0x4000  }
0x50: {  	[sflag:s20] =	ssyncset.done $0x0  }
0x51: {  	s23 =	sadd.s32 $0x2800, s23;
	[sflag:s20] =	ssyncadd.s32 $0xFFFFC000  }
0x52: {  	[spmem:s2] =	stream.indirect.scatter.add.f32 [tilespmem:s19], [sflag:$0x2], $0x80, s23, s18, $0xb8;
	[tilespmem:$0x1C8C0] =	vst v63  }
0x53: {  	_ =	swait.ge [sflag:s16], $0x4000  }
0x54: {  	[sflag:s16] =	ssyncset.done $0x0  }
0x55: {  	[sflag:s16] =	ssyncadd.s32 $0xFFFFC000  }
.LBB2_5:
.Ltmp4:
0x56: {  	(pc) =	sbr.rel @!p0 .LBB2_9-.Ltmp4, $1  }
0x57: {  	_ =	sdelay $0x3  }
0x58: {  	s23 =	simm.s32 $0x0  }
0x59: {  	[tilespmem:s19], [sflag:$0x1] =	stream.indirect.gather [hbm4b:s5+s18], $0x80, s23, s18, $0xb8;
	[tilespmem:$0x1C8C0] =	vst v63  }
0x5a: {  	_ =	swait.ge [sflag:s20], $0x4000  }
0x5b: {  	[sflag:s20] =	ssyncset.done $0x0  }
0x5c: {  	s31 =	simm.s32 $0x2800;
	[sflag:s20] =	ssyncadd.s32 $0xFFFFC000  }
0x5d: {  	[spmem:s2] =	stream.indirect.scatter.add.f32 [tilespmem:s19], [sflag:$0x2], $0x80, s31, s18, $0xb8;
	[tilespmem:$0x1C8C0] =	vst v63  }
0x5e: {  	_ =	swait.ge [sflag:s16], $0x4000  }
0x5f: {  	s24 =	simm.s32 $0x400;
	s23 =	simm.s32 $0x200;
	[sflag:s16] =	ssyncset.done $0x0  }
.LBB2_7:
0x60: {  	s25 =	sshra.s32 s23, $0x2  }
0x61: {  	[sflag:s16] =	ssyncadd.s32 $0xFFFFC000;
	s23 =	smov.u32 s24;
	s26 =	sadd.s32 $0x200, s24  }
0x62: {  	[tilespmem:s19], [sflag:$0x1] =	stream.indirect.gather [hbm4b:s5+s18], $0x80, s25, s18, $0xb8;
	[tilespmem:$0x1C8C0] =	vst v63  }
0x63: {  	p6 =	sne.s32 s24, $0x9C00;
	_ =	swait.ge [sflag:s20], $0x4000  }
.Ltmp5:
0x64: {  	[sflag:s20] =	ssyncset.done $0x0;
	(pc) =	sbr.rel @p6 .LBB2_7-.Ltmp5, $4  }
0x65: {  	s24 =	sadd.s32 $0x2800, s25;
	[sflag:s20] =	ssyncadd.s32 $0xFFFFC000  }
0x66: {  	[spmem:s2] =	stream.indirect.scatter.add.f32 [tilespmem:s19], [sflag:$0x2], $0x80, s24, s18, $0xb8;
	[tilespmem:$0x1C8C0] =	vst v63  }
0x67: {  	_ =	swait.ge [sflag:s16], $0x4000  }
0x68: {  	s24 =	smov.u32 s26;
	[sflag:s16] =	ssyncset.done $0x0  }
.Ltmp6:
0x69: {  	_ = 	snop;
	(pc) =	sbr.rel .LBB2_8-.Ltmp6, $1  }
0x6a: {  	_ =	sdelay $0x3  }
.LBB2_10:
0x6b: {  	_ =	sfence.sel $0x180000  }
0x6c: {  	[bflag:$0x0] =	sbarrier.arrive $0xFFFF  }
0x6d: {  	p0 =	sne.s32 s1, $0x0;
	_ =	strace $0x90000047  }
0x6e: {  	s0 =	sadd.s32 @!p0 $0x100000, s0;
	[bflag:$0x2] =	sbarrier.arrive $0xFFFF  }
0x6f: {  	[sflag:s0] =	ssyncadd.tile.s32 @!p0 $0x1;
	_ =	shalt  }
.Lfunc_end2:
_tile_overlayer_lowered:
.L_overlay_start_2:
0x70: {  	(tag) =	ssettag $0x2  }
0x71: {  	s0 =	rddreg [dreg:$0x0];
	s2 =	stileid.u32  }
0x72: {  	s1 =	rddreg [dreg:$0x1];
	p0 =	sne.s32 s2, $0x0  }
0x73: {  	s3 =	rddreg [dreg:$0x2];
	[bflag:$0x3] =	sbarrier.arrive $0xFFFF;
	s2 =	simm.s32 @!p0 $0x1C02  }
0x74: {  	[timem:s3], [sflag:s2] =	dma.local @!p0 [hbm:s0], s1  }
0x75: {  	s0 =	simm.s32 @!p0 $0x2  }
0x76: {  	_ =	swait.ge @!p0 [sflag:s0], s1  }
0x77: {  	s1 =	ssub.s32 @!p0 $0x0, s1;
	[sflag:s0] =	ssyncset.done @!p0 $0x0  }
0x78: {  	[sflag:s0] =	ssyncadd.s32 @!p0 s1  }
0x79: {  	[bflag:$0x3] =	sbarrier.arrive $0xFFFF  }
0x7a: {  	_ =	shalt  }

</sc_bundles>
